<compile_context>
chip_gen: v7x
topology: tpu7x:2x2x1
jax: 0.10.2.dev20260603
libtpu: 0.0.44.dev20260713+nightly
codegen_flags: <defaults>
</compile_context>

<pallas_src>
import functools

import jax
import jax.numpy as jnp
from jax import lax
from jax.experimental import pallas as pl
from jax.experimental.pallas import tpu as pltpu
from jax.experimental.pallas import tpu_sc as plsc

N = 10000
E = 160000
D = 256
R = 256
P = 64

_NC = 2
_NS = 16
_NW = _NC * _NS
_EPW = E // _NW
_C = 256
_NFULL = _EPW // _C
_CT = _EPW - _NFULL * _C
_EH = E // 2

_HI = -65536
_LO = 65535
_RND = 0x8000



_NBLK = 1000
_NHS = (N // 2) // _NBLK


def _node_pack(nf, wn, be_, wsrc, wdst):
    n = jnp.maximum(
        jnp.dot(nf, wn, preferred_element_type=jnp.float32) + be_, 0.0)
    q = jnp.dot(n, wsrc, preferred_element_type=jnp.float32)
    k = jnp.dot(n, wdst, preferred_element_type=jnp.float32)
    q32 = lax.bitcast_convert_type(q, jnp.int32)
    k32 = lax.bitcast_convert_type(k, jnp.int32)
    return ((q32 + _RND) & _HI) | lax.shift_right_logical(k32 + _RND, 16)


def _node_body(nfa_ref, nfb_ref, wn_ref, bn_ref, wsrc_ref, wdst_ref, tbl_ref):
    wn = wn_ref[...]
    bn = bn_ref[...]
    wsrc = wsrc_ref[...]
    wdst = wdst_ref[...]
    pa = _node_pack(nfa_ref[...], wn, bn, wsrc, wdst)
    pb = _node_pack(nfb_ref[...], wn, bn, wsrc, wdst)
    tbl_ref[...] = jnp.concatenate([pa, pb], axis=-1)


def _node_tc(nf, Wn, bn, Wsrc, Wdst):
    return pl.pallas_call(
        _node_body,
        grid=(_NHS,),
        in_specs=[
            pl.BlockSpec((_NBLK, D), lambda i: (i, 0)),
            pl.BlockSpec((_NBLK, D), lambda i: (i + _NHS, 0)),
            pl.BlockSpec((D, R), lambda i: (0, 0)),
            pl.BlockSpec((1, R), lambda i: (0, 0)),
            pl.BlockSpec((R, P), lambda i: (0, 0)),
            pl.BlockSpec((R, P), lambda i: (0, 0)),
        ],
        out_specs=pl.BlockSpec((_NBLK, 2 * P), lambda i: (i, 0)),
        out_shape=jax.ShapeDtypeStruct((N // 2, 2 * P), jnp.int32),
    )(nf, nf, Wn, bn.reshape(1, R), Wsrc, Wdst)



def _sc_gather_body(tbl_hbm, src_hbm, dst_hbm, out_hbm,
                    sp_tbl, sidx_all, didx_all,
                    a_a, b_a, a_b, b_b,
                    sg_a, sg_b, sw_a, sw_b, sem_t):
    sid = lax.axis_index("s")
    wid = sid * _NC + lax.axis_index("c")
    base_w = pl.multiple_of(wid * _EPW, 8)
    row_w = pl.multiple_of((wid % (_NW // 2)) * _EPW, 8)
    col_w = pl.multiple_of((wid // (_NW // 2)) * P, P)

    trows = N // _NS
    trow0 = sid * trows
    pltpu.sync_copy(tbl_hbm.at[pl.ds(trow0, trows)],
                    sp_tbl.at[pl.ds(trow0, trows)])
    pltpu.sync_copy(src_hbm.at[pl.ds(base_w, _EPW)], sidx_all)
    pltpu.sync_copy(dst_hbm.at[pl.ds(base_w, _EPW)], didx_all)
    plsc.subcore_barrier()

    def issue_gather(c, av, bv, sem):
        off = pl.multiple_of(c * _C, 8)
        ca = pltpu.async_copy(sp_tbl.at[sidx_all.at[pl.ds(off, _C)]], av, sem)
        cb = pltpu.async_copy(sp_tbl.at[didx_all.at[pl.ds(off, _C)]], bv, sem)
        return ca, cb

    def pack(c_rows, av, bv):
        @plsc.parallel_loop(0, c_rows, 1, unroll=8)
        def _(i):
            for s in range(P // 16):
                sl = (i, pl.ds(s * 16, 16))
                av[sl] = (av[sl] & _HI) | (bv[sl] & _LO)

    def issue_writeback(c, pv, sem):
        row = pl.multiple_of(row_w + c * _C, 8)
        return pltpu.async_copy(
            pv, out_hbm.at[pl.ds(row, _C), pl.ds(col_w, P)], sem)

    def pair_body(i, _):
        c0 = 2 * i
        ga = issue_gather(c0, a_a, b_a, sg_a)
        gb = issue_gather(c0 + 1, a_b, b_b, sg_b)
        ga[0].wait()
        ga[1].wait()
        pack(_C, a_a, b_a)
        wa = issue_writeback(c0, a_a, sw_a)
        gb[0].wait()
        gb[1].wait()
        pack(_C, a_b, b_b)
        wb = issue_writeback(c0 + 1, a_b, sw_b)
        wa.wait()
        wb.wait()
        return 0

    lax.fori_loop(0, _NFULL // 2, pair_body, 0)

    ga = issue_gather(_NFULL - 1, a_a, b_a, sg_a)
    toff = pl.multiple_of(_NFULL * _C, 8)
    ca = pltpu.async_copy(sp_tbl.at[sidx_all.at[pl.ds(toff, _CT)]],
                          a_b.at[pl.ds(0, _CT), :], sem_t)
    cb = pltpu.async_copy(sp_tbl.at[didx_all.at[pl.ds(toff, _CT)]],
                          b_b.at[pl.ds(0, _CT), :], sem_t)
    ga[0].wait()
    ga[1].wait()
    pack(_C, a_a, b_a)
    wa = issue_writeback(_NFULL - 1, a_a, sw_a)
    ca.wait()
    cb.wait()
    pack(_CT, a_b, b_b)
    trow = pl.multiple_of(row_w + _NFULL * _C, 8)
    pltpu.sync_copy(a_b.at[pl.ds(0, _CT), :],
                    out_hbm.at[pl.ds(trow, _CT), pl.ds(col_w, P)])
    wa.wait()


def _sc_gather(tbl, src, dst):
    mesh = plsc.VectorSubcoreMesh(core_axis_name="c", subcore_axis_name="s")
    kern = functools.partial(
        pl.kernel,
        out_type=jax.ShapeDtypeStruct((_EH, 2 * P), jnp.int32),
        mesh=mesh,
        scratch_types=[
            pltpu.VMEM_SHARED((N, P), jnp.int32),
            pltpu.VMEM((_EPW,), jnp.int32),
            pltpu.VMEM((_EPW,), jnp.int32),
            pltpu.VMEM((_C, P), jnp.int32),
            pltpu.VMEM((_C, P), jnp.int32),
            pltpu.VMEM((_C, P), jnp.int32),
            pltpu.VMEM((_C, P), jnp.int32),
            pltpu.SemaphoreType.DMA,
            pltpu.SemaphoreType.DMA,
            pltpu.SemaphoreType.DMA,
            pltpu.SemaphoreType.DMA,
            pltpu.SemaphoreType.DMA,
        ],
        compiler_params=pltpu.CompilerParams(use_tc_tiling_on_sc=False),
    )(_sc_gather_body)
    return kern(tbl, src, dst)



_EBLK = 3200
_NSTEP = _EH // _EBLK


def _edge_body(efa_ref, efb_ref, we_ref, be_ref, wedge2_ref, qskd_ref,
               sa_ref, sb_ref):
    we = we_ref[...]
    be = be_ref[...]
    wedge2 = wedge2_ref[...]

    ea = jnp.maximum(
        jnp.dot(efa_ref[...], we, preferred_element_type=jnp.float32)
        + be, 0.0)
    epw_a = jnp.dot(ea, wedge2, preferred_element_type=jnp.float32)
    eb = jnp.maximum(
        jnp.dot(efb_ref[...], we, preferred_element_type=jnp.float32)
        + be, 0.0)
    epw_b = jnp.dot(eb, wedge2, preferred_element_type=jnp.float32)

    lane = lax.broadcasted_iota(jnp.int32, (_EBLK, 2 * P), 1)
    in_a = lane < P
    ep128 = jnp.where(in_a, epw_a, epw_b)

    x = qskd_ref[...]
    qs = lax.bitcast_convert_type(x & _HI, jnp.float32)
    kd = lax.bitcast_convert_type(lax.shift_left(x, 16), jnp.float32)
    score128 = qs * kd + ep128 * (qs + kd)

    zero = jnp.zeros_like(score128)
    sa = jnp.sum(jnp.where(in_a, score128, zero), axis=-1)
    sb = jnp.sum(jnp.where(in_a, zero, score128), axis=-1)
    sa_ref[...] = sa.reshape(1, _EBLK // 128, 128)
    sb_ref[...] = sb.reshape(1, _EBLK // 128, 128)


def _edge_tc(ef, We, be, Wedge2, qskd):
    nrow = _EBLK // 128
    sa, sb = pl.pallas_call(
        _edge_body,
        grid=(_NSTEP,),
        in_specs=[
            pl.BlockSpec((_EBLK, D), lambda i: (i, 0)),
            pl.BlockSpec((_EBLK, D), lambda i: (i + _NSTEP, 0)),
            pl.BlockSpec((D, R), lambda i: (0, 0)),
            pl.BlockSpec((1, R), lambda i: (0, 0)),
            pl.BlockSpec((R, 2 * P), lambda i: (0, 0)),
            pl.BlockSpec((_EBLK, 2 * P), lambda i: (i, 0)),
        ],
        out_specs=[
            pl.BlockSpec((1, nrow, 128), lambda i: (i, 0, 0)),
            pl.BlockSpec((1, nrow, 128), lambda i: (i, 0, 0)),
        ],
        out_shape=[jax.ShapeDtypeStruct((_NSTEP, nrow, 128), jnp.float32)] * 2,
    )(ef, ef, We, be.reshape(1, R), Wedge2, qskd)
    return jnp.concatenate([sa.reshape(_EH), sb.reshape(_EH)])


def _tbl_row(u):
    return jnp.where(u < N // 2, 2 * u, 2 * u - (N - 1))


def kernel(node_features, edge_features, edge_index, Wn, bn, We, be,
           Wsrc, Wdst, Wedge):
    tbl = _node_tc(node_features, Wn, bn, Wsrc, Wdst).reshape(N, P)
    ei = edge_index.astype(jnp.int32)
    src = _tbl_row(ei[0])
    dst = _tbl_row(ei[1])
    qskd = _sc_gather(tbl, src, dst)
    wedge2 = jnp.concatenate([Wedge, Wedge], axis=1)
    return _edge_tc(edge_features, We, be, wedge2, qskd)

# --- scband reference (transcript-rebuilt; emitter-appended) ---
"""Pipeline reference for scband-model-9852654977714 (READ-ONLY COPY).

The authoritative reference and input builder live on the scoring server;
editing this copy changes nothing except your own understanding.
"""

import jax, jax.numpy as jnp
import numpy as np

N = 10000
E = 160000
D = 256   # node_feature_dim
R = 256   # node_reducer_out
P = 64    # dot_product_dim


def setup_inputs(seed: int = 0) -> dict:
    key = jax.random.key(seed)
    ks = jax.random.split(key, 12)
    s = 0.05
    return {
        "node_features": jax.random.normal(ks[0], (N, D), dtype=jnp.float32),
        "edge_features": jax.random.normal(ks[1], (E, D), dtype=jnp.float32),
        "edge_index": jax.random.randint(ks[2], (2, E), 0, N),
        # FeatureReducer for nodes: Linear(D, R) + ReLU
        "Wn": jax.random.normal(ks[3], (D, R), dtype=jnp.float32) * s,
        "bn": jnp.zeros((R,), dtype=jnp.float32),
        # FeatureReducer for edges: Linear(D, R) + ReLU
        "We": jax.random.normal(ks[4], (D, R), dtype=jnp.float32) * s,
        "be": jnp.zeros((R,), dtype=jnp.float32),
        # EdgeLabelPredictor projections to dot_product_dim
        "Wsrc": jax.random.normal(ks[5], (R, P), dtype=jnp.float32) * s,
        "Wdst": jax.random.normal(ks[6], (R, P), dtype=jnp.float32) * s,
        "Wedge": jax.random.normal(ks[7], (R, P), dtype=jnp.float32) * s,
    }


def reference(node_features, edge_features, edge_index, Wn, bn, We, be, Wsrc, Wdst, Wedge):
    # FeatureReducer on node features
    n = jax.nn.relu(node_features @ Wn + bn)          # [N, R]
    # FeatureReducer on edge features
    e = jax.nn.relu(edge_features @ We + be)          # [E, R]
    src = edge_index[0]
    dst = edge_index[1]
    # EdgeLabelPredictor: project reduced node feats to dot-product space,
    # gather per-edge endpoints, dot-product score with edge-feature term
    q = n @ Wsrc                                      # [N, P]
    k = n @ Wdst                                      # [N, P]
    ep = e @ Wedge                                    # [E, P]
    qs = jnp.take(q, src, axis=0)                     # [E, P]
    kd = jnp.take(k, dst, axis=0)                     # [E, P]
    score = jnp.sum(qs * kd, axis=-1)
    # include_edge_features=True branch
    score = score + jnp.sum(ep * (qs + kd), axis=-1)
    return score                                      # [E]

if __name__ == "__main__":
    import jax
    _d = setup_inputs()
    print(jax.jit(kernel)(*tuple(_d.values())))

</pallas_src>

<mosaic_0001>
#map = affine_map<(d0, d1) -> (0, 0)>
#map1 = affine_map<(d0, d1) -> (0)>
module attributes {stable_mosaic.version = 14 : i64} {
  func.func @_sc_gather_body(%arg0: i32, %arg1: i32, %arg2: memref<10000x64xi32, #tpu.memory_space<hbm>>, %arg3: memref<160000xi32, #tpu.memory_space<hbm>>, %arg4: memref<160000xi32, #tpu.memory_space<hbm>>, %arg5: memref<80000x128xi32, #tpu.memory_space<hbm>>, %arg6: memref<10000x64xi32, #tpu.memory_space<vmem_shared>>, %arg7: memref<5000xi32, #tpu.memory_space<vmem>>, %arg8: memref<5000xi32, #tpu.memory_space<vmem>>, %arg9: memref<256x64xi32, #tpu.memory_space<vmem>>, %arg10: memref<256x64xi32, #tpu.memory_space<vmem>>, %arg11: memref<256x64xi32, #tpu.memory_space<vmem>>, %arg12: memref<256x64xi32, #tpu.memory_space<vmem>>, %arg13: memref<!tpu.dma_semaphore, #tpu.memory_space<semaphore_mem>>, %arg14: memref<!tpu.dma_semaphore, #tpu.memory_space<semaphore_mem>>, %arg15: memref<!tpu.dma_semaphore, #tpu.memory_space<semaphore_mem>>, %arg16: memref<!tpu.dma_semaphore, #tpu.memory_space<semaphore_mem>>, %arg17: memref<!tpu.dma_semaphore, #tpu.memory_space<semaphore_mem>>) attributes {dimension_semantics = [#tpu.dimension_semantics<core_parallel>, #tpu.dimension_semantics<subcore_parallel>], iteration_bounds = array<i64: 2, 16>, scalar_prefetch = 0 : i64, scratch_operands = 12 : i64, tpu.core_type = #tpu.core_type<sc_vector_subcore>, window_params = [{transform_indices = #map}, {transform_indices = #map1}, {transform_indices = #map1}, {transform_indices = #map}]} {
    %mul3A = arith.constant 2 : i32
    %mul3A_0 = arith.muli %arg1, %mul3A : i32
    %add3A = arith.addi %mul3A_0, %arg0 : i32
    %mul3A_1 = arith.constant 5000 : i32
    %mul3A_2 = arith.muli %add3A, %mul3A_1 : i32
    %multiple_of3A = tpu.assume_multiple %mul3A_2, 8 : i32
    %jit3A = arith.constant 16 : i32
    %eq3A = arith.constant 0 : i32
    %eq3A_3 = arith.cmpi eq, %jit3A, %eq3A : i32
    %jit3A_4 = arith.constant 1 : i32
    %select_n3A = arith.select %eq3A_3, %jit3A_4, %jit3A : i32
    %rem3A = arith.remsi %add3A, %select_n3A : i32
    %ne3A = arith.constant 0 : i32
    %ne3A_5 = arith.cmpi ne, %rem3A, %ne3A : i32
    %lt3A = arith.constant 0 : i32
    %lt3A_6 = arith.cmpi slt, %rem3A, %lt3A : i32
    %lt3A_7 = arith.constant 0 : i32
    %lt3A_8 = arith.cmpi slt, %select_n3A, %lt3A_7 : i32
    %ne3A_9 = arith.xori %lt3A_6, %lt3A_8 : i1
    %and3A = arith.andi %ne3A_9, %ne3A_5 : i1
    %add3A_10 = arith.addi %rem3A, %select_n3A : i32
    %select_n3A_11 = arith.select %and3A, %add3A_10, %rem3A : i32
    %mul3A_12 = arith.constant 5000 : i32
    %mul3A_13 = arith.muli %select_n3A_11, %mul3A_12 : i32
    %multiple_of3A_14 = tpu.assume_multiple %mul3A_13, 8 : i32
    %jit3A_15 = arith.constant 16 : i32
    %div3A = arith.divsi %add3A, %jit3A_15 : i32
    %sign3A = arith.constant 0 : i32
    %sign3A_16 = arith.cmpi sgt, %add3A, %sign3A : i32
    %sign3A_17 = arith.extui %sign3A_16 : i1 to i32
    %sign3A_18 = arith.constant 0 : i32
    %sign3A_19 = arith.cmpi slt, %add3A, %sign3A_18 : i32
    %sign3A_20 = arith.extui %sign3A_19 : i1 to i32
    %sign3A_21 = arith.subi %sign3A_17, %sign3A_20 : i32
    %sign3A_22 = arith.constant 0 : i32
    %sign3A_23 = arith.cmpi sgt, %jit3A_15, %sign3A_22 : i32
    %sign3A_24 = arith.extui %sign3A_23 : i1 to i32
    %sign3A_25 = arith.constant 0 : i32
    %sign3A_26 = arith.cmpi slt, %jit3A_15, %sign3A_25 : i32
    %sign3A_27 = arith.extui %sign3A_26 : i1 to i32
    %sign3A_28 = arith.subi %sign3A_24, %sign3A_27 : i32
    %ne3A_29 = arith.cmpi ne, %sign3A_21, %sign3A_28 : i32
    %rem3A_30 = arith.remsi %add3A, %jit3A_15 : i32
    %ne3A_31 = arith.constant 0 : i32
    %ne3A_32 = arith.cmpi ne, %rem3A_30, %ne3A_31 : i32
    %and3A_33 = arith.andi %ne3A_29, %ne3A_32 : i1
    %sub3A = arith.constant 1 : i32
    %sub3A_34 = arith.subi %div3A, %sub3A : i32
    %select_n3A_35 = arith.select %and3A_33, %sub3A_34, %div3A : i32
    %mul3A_36 = arith.constant 64 : i32
    %mul3A_37 = arith.muli %select_n3A_35, %mul3A_36 : i32
    %multiple_of3A_38 = tpu.assume_multiple %mul3A_37, 64 : i32
    %mul3A_39 = arith.constant 625 : i32
    %mul3A_40 = arith.muli %arg1, %mul3A_39 : i32
    "tpu.region"() ({
      %run_scoped3A = tpu.sem_alloc : memref<!tpu.dma_semaphore, #tpu.memory_space<semaphore_mem>>
      %dma_start3A_108 = arith.constant 0 : i32
      %dma_start3A_109 = tpu.memref_slice %arg6[%mul3A_40, %dma_start3A_108] : memref<10000x64xi32, #tpu.memory_space<vmem_shared>> -> memref<625x64xi32, #tpu.memory_space<vmem_shared>>
      %dma_start3A_110 = arith.constant 0 : i32
      %dma_start3A_111 = tpu.memref_slice %arg2[%mul3A_40, %dma_start3A_110] : memref<10000x64xi32, #tpu.memory_space<hbm>> -> memref<625x64xi32, #tpu.memory_space<hbm>>
      tpu.enqueue_dma source(%dma_start3A_111 : memref<625x64xi32, #tpu.memory_space<hbm>>) target(%dma_start3A_109 : memref<625x64xi32, #tpu.memory_space<vmem_shared>>) target_semaphore(%run_scoped3A : memref<!tpu.dma_semaphore, #tpu.memory_space<semaphore_mem>>)
      %dma_wait3A_112 = arith.constant 0 : i32
      %dma_wait3A_113 = tpu.memref_slice %arg6[%mul3A_40, %dma_wait3A_112] : memref<10000x64xi32, #tpu.memory_space<vmem_shared>> -> memref<625x64xi32, #tpu.memory_space<vmem_shared>>
      %dma_wait3A_114 = arith.constant 0 : i32
      %dma_wait3A_115 = tpu.memref_slice %arg2[%mul3A_40, %dma_wait3A_114] : memref<10000x64xi32, #tpu.memory_space<hbm>> -> memref<625x64xi32, #tpu.memory_space<hbm>>
      tpu.wait_dma2 semaphore(%run_scoped3A : memref<!tpu.dma_semaphore, #tpu.memory_space<semaphore_mem>>) src(%dma_wait3A_115 : memref<625x64xi32, #tpu.memory_space<hbm>>) dst(%dma_wait3A_113 : memref<625x64xi32, #tpu.memory_space<vmem_shared>>)
      tpu.yield
    }) : () -> ()
    "tpu.region"() ({
      %run_scoped3A = tpu.sem_alloc : memref<!tpu.dma_semaphore, #tpu.memory_space<semaphore_mem>>
      %dma_start3A_108 = tpu.memref_slice %arg3[%multiple_of3A] : memref<160000xi32, #tpu.memory_space<hbm>> -> memref<5000xi32, #tpu.memory_space<hbm>>
      %dma_start3A_109 = tpu.memref_slice %arg3[%multiple_of3A] : memref<160000xi32, #tpu.memory_space<hbm>> -> memref<5000xi32, #tpu.memory_space<hbm>>
      tpu.enqueue_dma source(%dma_start3A_109 : memref<5000xi32, #tpu.memory_space<hbm>>) target(%arg7 : memref<5000xi32, #tpu.memory_space<vmem>>) target_semaphore(%run_scoped3A : memref<!tpu.dma_semaphore, #tpu.memory_space<semaphore_mem>>)
      %dma_wait3A_110 = tpu.memref_slice %arg3[%multiple_of3A] : memref<160000xi32, #tpu.memory_space<hbm>> -> memref<5000xi32, #tpu.memory_space<hbm>>
      %dma_wait3A_111 = tpu.memref_slice %arg3[%multiple_of3A] : memref<160000xi32, #tpu.memory_space<hbm>> -> memref<5000xi32, #tpu.memory_space<hbm>>
      tpu.wait_dma2 semaphore(%run_scoped3A : memref<!tpu.dma_semaphore, #tpu.memory_space<semaphore_mem>>) src(%dma_wait3A_111 : memref<5000xi32, #tpu.memory_space<hbm>>) dst(%arg7 : memref<5000xi32, #tpu.memory_space<vmem>>)
      tpu.yield
    }) : () -> ()
    "tpu.region"() ({
      %run_scoped3A = tpu.sem_alloc : memref<!tpu.dma_semaphore, #tpu.memory_space<semaphore_mem>>
      %dma_start3A_108 = tpu.memref_slice %arg4[%multiple_of3A] : memref<160000xi32, #tpu.memory_space<hbm>> -> memref<5000xi32, #tpu.memory_space<hbm>>
      %dma_start3A_109 = tpu.memref_slice %arg4[%multiple_of3A] : memref<160000xi32, #tpu.memory_space<hbm>> -> memref<5000xi32, #tpu.memory_space<hbm>>
      tpu.enqueue_dma source(%dma_start3A_109 : memref<5000xi32, #tpu.memory_space<hbm>>) target(%arg8 : memref<5000xi32, #tpu.memory_space<vmem>>) target_semaphore(%run_scoped3A : memref<!tpu.dma_semaphore, #tpu.memory_space<semaphore_mem>>)
      %dma_wait3A_110 = tpu.memref_slice %arg4[%multiple_of3A] : memref<160000xi32, #tpu.memory_space<hbm>> -> memref<5000xi32, #tpu.memory_space<hbm>>
      %dma_wait3A_111 = tpu.memref_slice %arg4[%multiple_of3A] : memref<160000xi32, #tpu.memory_space<hbm>> -> memref<5000xi32, #tpu.memory_space<hbm>>
      tpu.wait_dma2 semaphore(%run_scoped3A : memref<!tpu.dma_semaphore, #tpu.memory_space<semaphore_mem>>) src(%dma_wait3A_111 : memref<5000xi32, #tpu.memory_space<hbm>>) dst(%arg8 : memref<5000xi32, #tpu.memory_space<vmem>>)
      tpu.yield
    }) : () -> ()
    %barrier3A = arith.constant 0 : index
    tpu.barrier barrier_id(%barrier3A)
    %scan3A = arith.constant 0 : i32
    %scan3A_41 = arith.constant 0 : i32
    %scan3A_42 = arith.constant 9 : i32
    %scan3A_43 = arith.addi %scan3A_41, %scan3A_42 : i32
    %scan3A_44 = arith.constant 1 : i32
    %scan3A_45 = scf.for %scan3A_108 = %scan3A_41 to %scan3A_43 step %scan3A_44 iter_args(%scan3A_109 = %scan3A) -> (i32)  : i32 {
      %mul3A_110 = arith.constant 2 : i32
      %mul3A_111 = arith.muli %mul3A_110, %scan3A_108 : i32
      %mul3A_112 = arith.constant 256 : i32
      %mul3A_113 = arith.muli %mul3A_111, %mul3A_112 : i32
      %multiple_of3A_114 = tpu.assume_multiple %mul3A_113, 8 : i32
      %dma_start3A_115 = tpu.memref_slice %arg7[%multiple_of3A_114] : memref<5000xi32, #tpu.memory_space<vmem>> -> memref<256xi32, #tpu.memory_space<vmem>>
      %dma_start3A_116 = arith.constant 0 : i32
      %dma_start3A_117 = arith.constant 0 : i32
      %dma_start3A_118 = tpu.memref_slice %arg6[%dma_start3A_116, %dma_start3A_117] : memref<10000x64xi32, #tpu.memory_space<vmem_shared>> -> memref<10000x64xi32, #tpu.memory_space<vmem_shared>>
      tpu.enqueue_indirect_dma source(%dma_start3A_118 : memref<10000x64xi32, #tpu.memory_space<vmem_shared>>) target(%arg9 : memref<256x64xi32, #tpu.memory_space<vmem>>) offsets(%dma_start3A_115 : memref<256xi32, #tpu.memory_space<vmem>>) semaphore(%arg13 : memref<!tpu.dma_semaphore, #tpu.memory_space<semaphore_mem>>)
      %dma_start3A_119 = tpu.memref_slice %arg8[%multiple_of3A_114] : memref<5000xi32, #tpu.memory_space<vmem>> -> memref<256xi32, #tpu.memory_space<vmem>>
      %dma_start3A_120 = arith.constant 0 : i32
      %dma_start3A_121 = arith.constant 0 : i32
      %dma_start3A_122 = tpu.memref_slice %arg6[%dma_start3A_120, %dma_start3A_121] : memref<10000x64xi32, #tpu.memory_space<vmem_shared>> -> memref<10000x64xi32, #tpu.memory_space<vmem_shared>>
      tpu.enqueue_indirect_dma source(%dma_start3A_122 : memref<10000x64xi32, #tpu.memory_space<vmem_shared>>) target(%arg10 : memref<256x64xi32, #tpu.memory_space<vmem>>) offsets(%dma_start3A_119 : memref<256xi32, #tpu.memory_space<vmem>>) semaphore(%arg13 : memref<!tpu.dma_semaphore, #tpu.memory_space<semaphore_mem>>)
      %add3A_123 = arith.constant 1 : i32
      %add3A_124 = arith.addi %mul3A_111, %add3A_123 : i32
      %mul3A_125 = arith.constant 256 : i32
      %mul3A_126 = arith.muli %add3A_124, %mul3A_125 : i32
      %multiple_of3A_127 = tpu.assume_multiple %mul3A_126, 8 : i32
      %dma_start3A_128 = tpu.memref_slice %arg7[%multiple_of3A_127] : memref<5000xi32, #tpu.memory_space<vmem>> -> memref<256xi32, #tpu.memory_space<vmem>>
      %dma_start3A_129 = arith.constant 0 : i32
      %dma_start3A_130 = arith.constant 0 : i32
      %dma_start3A_131 = tpu.memref_slice %arg6[%dma_start3A_129, %dma_start3A_130] : memref<10000x64xi32, #tpu.memory_space<vmem_shared>> -> memref<10000x64xi32, #tpu.memory_space<vmem_shared>>
      tpu.enqueue_indirect_dma source(%dma_start3A_131 : memref<10000x64xi32, #tpu.memory_space<vmem_shared>>) target(%arg11 : memref<256x64xi32, #tpu.memory_space<vmem>>) offsets(%dma_start3A_128 : memref<256xi32, #tpu.memory_space<vmem>>) semaphore(%arg14 : memref<!tpu.dma_semaphore, #tpu.memory_space<semaphore_mem>>)
      %dma_start3A_132 = tpu.memref_slice %arg8[%multiple_of3A_127] : memref<5000xi32, #tpu.memory_space<vmem>> -> memref<256xi32, #tpu.memory_space<vmem>>
      %dma_start3A_133 = arith.constant 0 : i32
      %dma_start3A_134 = arith.constant 0 : i32
      %dma_start3A_135 = tpu.memref_slice %arg6[%dma_start3A_133, %dma_start3A_134] : memref<10000x64xi32, #tpu.memory_space<vmem_shared>> -> memref<10000x64xi32, #tpu.memory_space<vmem_shared>>
      tpu.enqueue_indirect_dma source(%dma_start3A_135 : memref<10000x64xi32, #tpu.memory_space<vmem_shared>>) target(%arg12 : memref<256x64xi32, #tpu.memory_space<vmem>>) offsets(%dma_start3A_132 : memref<256xi32, #tpu.memory_space<vmem>>) semaphore(%arg14 : memref<!tpu.dma_semaphore, #tpu.memory_space<semaphore_mem>>)
      %dma_wait3A_136 = tpu.memref_slice %arg7[%multiple_of3A_114] : memref<5000xi32, #tpu.memory_space<vmem>> -> memref<256xi32, #tpu.memory_space<vmem>>
      %dma_wait3A_137 = arith.constant 0 : i32
      %dma_wait3A_138 = arith.constant 0 : i32
      %dma_wait3A_139 = tpu.memref_slice %arg6[%dma_wait3A_137, %dma_wait3A_138] : memref<10000x64xi32, #tpu.memory_space<vmem_shared>> -> memref<10000x64xi32, #tpu.memory_space<vmem_shared>>
      tpu.wait_indirect_dma semaphore(%arg13 : memref<!tpu.dma_semaphore, #tpu.memory_space<semaphore_mem>>) src(%dma_wait3A_139 : memref<10000x64xi32, #tpu.memory_space<vmem_shared>>) dst(%arg9 : memref<256x64xi32, #tpu.memory_space<vmem>>)
      %dma_wait3A_140 = tpu.memref_slice %arg8[%multiple_of3A_114] : memref<5000xi32, #tpu.memory_space<vmem>> -> memref<256xi32, #tpu.memory_space<vmem>>
      %dma_wait3A_141 = arith.constant 0 : i32
      %dma_wait3A_142 = arith.constant 0 : i32
      %dma_wait3A_143 = tpu.memref_slice %arg6[%dma_wait3A_141, %dma_wait3A_142] : memref<10000x64xi32, #tpu.memory_space<vmem_shared>> -> memref<10000x64xi32, #tpu.memory_space<vmem_shared>>
      tpu.wait_indirect_dma semaphore(%arg13 : memref<!tpu.dma_semaphore, #tpu.memory_space<semaphore_mem>>) src(%dma_wait3A_143 : memref<10000x64xi32, #tpu.memory_space<vmem_shared>>) dst(%arg10 : memref<256x64xi32, #tpu.memory_space<vmem>>)
      %parallel_loop3A_144 = arith.constant 0 : i32
      %parallel_loop3A_145 = arith.constant 256 : i32
      %parallel_loop3A_146 = arith.constant 1 : i32
      scf.for %parallel_loop3A_177 = %parallel_loop3A_144 to %parallel_loop3A_145 step %parallel_loop3A_146  : i32 {
        %parallel_loop3A_178 = arith.index_cast %parallel_loop3A_177 : i32 to index
        %parallel_loop3A_179 = arith.constant 0 : index
        %parallel_loop3A_180 = tpu.vector_load %arg9[%parallel_loop3A_178, %parallel_loop3A_179] {strides = array<i32>} : memref<256x64xi32, #tpu.memory_space<vmem>>, vector<1x16xi32>,
        %parallel_loop3A_181 = vector.shape_cast %parallel_loop3A_180 : vector<1x16xi32> to vector<16xi32>
        %parallel_loop3A_182 = arith.constant -65536 : i32
        %parallel_loop3A_183 = vector.broadcast %parallel_loop3A_182 : i32 to vector<16xi32>
        %parallel_loop3A_184 = arith.andi %parallel_loop3A_181, %parallel_loop3A_183 : vector<16xi32>
        %parallel_loop3A_185 = arith.index_cast %parallel_loop3A_177 : i32 to index
        %parallel_loop3A_186 = arith.constant 0 : index
        %parallel_loop3A_187 = tpu.vector_load %arg10[%parallel_loop3A_185, %parallel_loop3A_186] {strides = array<i32>} : memref<256x64xi32, #tpu.memory_space<vmem>>, vector<1x16xi32>,
        %parallel_loop3A_188 = vector.shape_cast %parallel_loop3A_187 : vector<1x16xi32> to vector<16xi32>
        %parallel_loop3A_189 = arith.constant 65535 : i32
        %parallel_loop3A_190 = vector.broadcast %parallel_loop3A_189 : i32 to vector<16xi32>
        %parallel_loop3A_191 = arith.andi %parallel_loop3A_188, %parallel_loop3A_190 : vector<16xi32>
        %parallel_loop3A_192 = arith.ori %parallel_loop3A_184, %parallel_loop3A_191 : vector<16xi32>
        %parallel_loop3A_193 = arith.index_cast %parallel_loop3A_177 : i32 to index
        %parallel_loop3A_194 = arith.constant 0 : index
        %parallel_loop3A_195 = tpu.vector_load %arg9[%parallel_loop3A_193, %parallel_loop3A_194] {strides = array<i32>} : memref<256x64xi32, #tpu.memory_space<vmem>>, vector<1x16xi32>,
        %parallel_loop3A_196 = vector.shape_cast %parallel_loop3A_195 : vector<1x16xi32> to vector<16xi32>
        %parallel_loop3A_197 = vector.shape_cast %parallel_loop3A_192 : vector<16xi32> to vector<1x16xi32>
        tpu.vector_store %arg9[%parallel_loop3A_193, %parallel_loop3A_194], %parallel_loop3A_197 {strides = array<i32>} : memref<256x64xi32, #tpu.memory_space<vmem>>, vector<1x16xi32>,
        %parallel_loop3A_198 = arith.index_cast %parallel_loop3A_177 : i32 to index
        %parallel_loop3A_199 = arith.constant 16 : index
        %parallel_loop3A_200 = tpu.vector_load %arg9[%parallel_loop3A_198, %parallel_loop3A_199] {strides = array<i32>} : memref<256x64xi32, #tpu.memory_space<vmem>>, vector<1x16xi32>,
        %parallel_loop3A_201 = vector.shape_cast %parallel_loop3A_200 : vector<1x16xi32> to vector<16xi32>
        %parallel_loop3A_202 = arith.constant -65536 : i32
        %parallel_loop3A_203 = vector.broadcast %parallel_loop3A_202 : i32 to vector<16xi32>
        %parallel_loop3A_204 = arith.andi %parallel_loop3A_201, %parallel_loop3A_203 : vector<16xi32>
        %parallel_loop3A_205 = arith.index_cast %parallel_loop3A_177 : i32 to index
        %parallel_loop3A_206 = arith.constant 16 : index
        %parallel_loop3A_207 = tpu.vector_load %arg10[%parallel_loop3A_205, %parallel_loop3A_206] {strides = array<i32>} : memref<256x64xi32, #tpu.memory_space<vmem>>, vector<1x16xi32>,
        %parallel_loop3A_208 = vector.shape_cast %parallel_loop3A_207 : vector<1x16xi32> to vector<16xi32>
        %parallel_loop3A_209 = arith.constant 65535 : i32
        %parallel_loop3A_210 = vector.broadcast %parallel_loop3A_209 : i32 to vector<16xi32>
        %parallel_loop3A_211 = arith.andi %parallel_loop3A_208, %parallel_loop3A_210 : vector<16xi32>
        %parallel_loop3A_212 = arith.ori %parallel_loop3A_204, %parallel_loop3A_211 : vector<16xi32>
        %parallel_loop3A_213 = arith.index_cast %parallel_loop3A_177 : i32 to index
        %parallel_loop3A_214 = arith.constant 16 : index
        %parallel_loop3A_215 = tpu.vector_load %arg9[%parallel_loop3A_213, %parallel_loop3A_214] {strides = array<i32>} : memref<256x64xi32, #tpu.memory_space<vmem>>, vector<1x16xi32>,
        %parallel_loop3A_216 = vector.shape_cast %parallel_loop3A_215 : vector<1x16xi32> to vector<16xi32>
        %parallel_loop3A_217 = vector.shape_cast %parallel_loop3A_212 : vector<16xi32> to vector<1x16xi32>
        tpu.vector_store %arg9[%parallel_loop3A_213, %parallel_loop3A_214], %parallel_loop3A_217 {strides = array<i32>} : memref<256x64xi32, #tpu.memory_space<vmem>>, vector<1x16xi32>,
        %parallel_loop3A_218 = arith.index_cast %parallel_loop3A_177 : i32 to index
        %parallel_loop3A_219 = arith.constant 32 : index
        %parallel_loop3A_220 = tpu.vector_load %arg9[%parallel_loop3A_218, %parallel_loop3A_219] {strides = array<i32>} : memref<256x64xi32, #tpu.memory_space<vmem>>, vector<1x16xi32>,
        %parallel_loop3A_221 = vector.shape_cast %parallel_loop3A_220 : vector<1x16xi32> to vector<16xi32>
        %parallel_loop3A_222 = arith.constant -65536 : i32
        %parallel_loop3A_223 = vector.broadcast %parallel_loop3A_222 : i32 to vector<16xi32>
        %parallel_loop3A_224 = arith.andi %parallel_loop3A_221, %parallel_loop3A_223 : vector<16xi32>
        %parallel_loop3A_225 = arith.index_cast %parallel_loop3A_177 : i32 to index
        %parallel_loop3A_226 = arith.constant 32 : index
        %parallel_loop3A_227 = tpu.vector_load %arg10[%parallel_loop3A_225, %parallel_loop3A_226] {strides = array<i32>} : memref<256x64xi32, #tpu.memory_space<vmem>>, vector<1x16xi32>,
        %parallel_loop3A_228 = vector.shape_cast %parallel_loop3A_227 : vector<1x16xi32> to vector<16xi32>
        %parallel_loop3A_229 = arith.constant 65535 : i32
        %parallel_loop3A_230 = vector.broadcast %parallel_loop3A_229 : i32 to vector<16xi32>
        %parallel_loop3A_231 = arith.andi %parallel_loop3A_228, %parallel_loop3A_230 : vector<16xi32>
        %parallel_loop3A_232 = arith.ori %parallel_loop3A_224, %parallel_loop3A_231 : vector<16xi32>
        %parallel_loop3A_233 = arith.index_cast %parallel_loop3A_177 : i32 to index
        %parallel_loop3A_234 = arith.constant 32 : index
        %parallel_loop3A_235 = tpu.vector_load %arg9[%parallel_loop3A_233, %parallel_loop3A_234] {strides = array<i32>} : memref<256x64xi32, #tpu.memory_space<vmem>>, vector<1x16xi32>,
        %parallel_loop3A_236 = vector.shape_cast %parallel_loop3A_235 : vector<1x16xi32> to vector<16xi32>
        %parallel_loop3A_237 = vector.shape_cast %parallel_loop3A_232 : vector<16xi32> to vector<1x16xi32>
        tpu.vector_store %arg9[%parallel_loop3A_233, %parallel_loop3A_234], %parallel_loop3A_237 {strides = array<i32>} : memref<256x64xi32, #tpu.memory_space<vmem>>, vector<1x16xi32>,
        %parallel_loop3A_238 = arith.index_cast %parallel_loop3A_177 : i32 to index
        %parallel_loop3A_239 = arith.constant 48 : index
        %parallel_loop3A_240 = tpu.vector_load %arg9[%parallel_loop3A_238, %parallel_loop3A_239] {strides = array<i32>} : memref<256x64xi32, #tpu.memory_space<vmem>>, vector<1x16xi32>,
        %parallel_loop3A_241 = vector.shape_cast %parallel_loop3A_240 : vector<1x16xi32> to vector<16xi32>
        %parallel_loop3A_242 = arith.constant -65536 : i32
        %parallel_loop3A_243 = vector.broadcast %parallel_loop3A_242 : i32 to vector<16xi32>
        %parallel_loop3A_244 = arith.andi %parallel_loop3A_241, %parallel_loop3A_243 : vector<16xi32>
        %parallel_loop3A_245 = arith.index_cast %parallel_loop3A_177 : i32 to index
        %parallel_loop3A_246 = arith.constant 48 : index
        %parallel_loop3A_247 = tpu.vector_load %arg10[%parallel_loop3A_245, %parallel_loop3A_246] {strides = array<i32>} : memref<256x64xi32, #tpu.memory_space<vmem>>, vector<1x16xi32>,
        %parallel_loop3A_248 = vector.shape_cast %parallel_loop3A_247 : vector<1x16xi32> to vector<16xi32>
        %parallel_loop3A_249 = arith.constant 65535 : i32
        %parallel_loop3A_250 = vector.broadcast %parallel_loop3A_249 : i32 to vector<16xi32>
        %parallel_loop3A_251 = arith.andi %parallel_loop3A_248, %parallel_loop3A_250 : vector<16xi32>
        %parallel_loop3A_252 = arith.ori %parallel_loop3A_244, %parallel_loop3A_251 : vector<16xi32>
        %parallel_loop3A_253 = arith.index_cast %parallel_loop3A_177 : i32 to index
        %parallel_loop3A_254 = arith.constant 48 : index
        %parallel_loop3A_255 = tpu.vector_load %arg9[%parallel_loop3A_253, %parallel_loop3A_254] {strides = array<i32>} : memref<256x64xi32, #tpu.memory_space<vmem>>, vector<1x16xi32>,
        %parallel_loop3A_256 = vector.shape_cast %parallel_loop3A_255 : vector<1x16xi32> to vector<16xi32>
        %parallel_loop3A_257 = vector.shape_cast %parallel_loop3A_252 : vector<16xi32> to vector<1x16xi32>
        tpu.vector_store %arg9[%parallel_loop3A_253, %parallel_loop3A_254], %parallel_loop3A_257 {strides = array<i32>} : memref<256x64xi32, #tpu.memory_space<vmem>>, vector<1x16xi32>,
      } {sc.loop_unroll_factor = 8 : i64, sc.parallel_access}
      %mul3A_147 = arith.constant 256 : i32
      %mul3A_148 = arith.muli %mul3A_111, %mul3A_147 : i32
      %add3A_149 = arith.addi %multiple_of3A_14, %mul3A_148 : i32
      %multiple_of3A_150 = tpu.assume_multiple %add3A_149, 8 : i32
      %dma_start3A_151 = tpu.memref_slice %arg5[%multiple_of3A_150, %multiple_of3A_38] : memref<80000x128xi32, #tpu.memory_space<hbm>> -> memref<256x64xi32, #tpu.memory_space<hbm>>
      %dma_start3A_152 = tpu.memref_slice %arg5[%multiple_of3A_150, %multiple_of3A_38] : memref<80000x128xi32, #tpu.memory_space<hbm>> -> memref<256x64xi32, #tpu.memory_space<hbm>>
      tpu.enqueue_dma source(%arg9 : memref<256x64xi32, #tpu.memory_space<vmem>>) target(%dma_start3A_152 : memref<256x64xi32, #tpu.memory_space<hbm>>) target_semaphore(%arg15 : memref<!tpu.dma_semaphore, #tpu.memory_space<semaphore_mem>>)
      %dma_wait3A_153 = tpu.memref_slice %arg7[%multiple_of3A_127] : memref<5000xi32, #tpu.memory_space<vmem>> -> memref<256xi32, #tpu.memory_space<vmem>>
      %dma_wait3A_154 = arith.constant 0 : i32
      %dma_wait3A_155 = arith.constant 0 : i32
      %dma_wait3A_156 = tpu.memref_slice %arg6[%dma_wait3A_154, %dma_wait3A_155] : memref<10000x64xi32, #tpu.memory_space<vmem_shared>> -> memref<10000x64xi32, #tpu.memory_space<vmem_shared>>
      tpu.wait_indirect_dma semaphore(%arg14 : memref<!tpu.dma_semaphore, #tpu.memory_space<semaphore_mem>>) src(%dma_wait3A_156 : memref<10000x64xi32, #tpu.memory_space<vmem_shared>>) dst(%arg11 : memref<256x64xi32, #tpu.memory_space<vmem>>)
      %dma_wait3A_157 = tpu.memref_slice %arg8[%multiple_of3A_127] : memref<5000xi32, #tpu.memory_space<vmem>> -> memref<256xi32, #tpu.memory_space<vmem>>
      %dma_wait3A_158 = arith.constant 0 : i32
      %dma_wait3A_159 = arith.constant 0 : i32
      %dma_wait3A_160 = tpu.memref_slice %arg6[%dma_wait3A_158, %dma_wait3A_159] : memref<10000x64xi32, #tpu.memory_space<vmem_shared>> -> memref<10000x64xi32, #tpu.memory_space<vmem_shared>>
      tpu.wait_indirect_dma semaphore(%arg14 : memref<!tpu.dma_semaphore, #tpu.memory_space<semaphore_mem>>) src(%dma_wait3A_160 : memref<10000x64xi32, #tpu.memory_space<vmem_shared>>) dst(%arg12 : memref<256x64xi32, #tpu.memory_space<vmem>>)
      %parallel_loop3A_161 = arith.constant 0 : i32
      %parallel_loop3A_162 = arith.constant 256 : i32
      %parallel_loop3A_163 = arith.constant 1 : i32
      scf.for %parallel_loop3A_177 = %parallel_loop3A_161 to %parallel_loop3A_162 step %parallel_loop3A_163  : i32 {
        %parallel_loop3A_178 = arith.index_cast %parallel_loop3A_177 : i32 to index
        %parallel_loop3A_179 = arith.constant 0 : index
        %parallel_loop3A_180 = tpu.vector_load %arg11[%parallel_loop3A_178, %parallel_loop3A_179] {strides = array<i32>} : memref<256x64xi32, #tpu.memory_space<vmem>>, vector<1x16xi32>,
        %parallel_loop3A_181 = vector.shape_cast %parallel_loop3A_180 : vector<1x16xi32> to vector<16xi32>
        %parallel_loop3A_182 = arith.constant -65536 : i32
        %parallel_loop3A_183 = vector.broadcast %parallel_loop3A_182 : i32 to vector<16xi32>
        %parallel_loop3A_184 = arith.andi %parallel_loop3A_181, %parallel_loop3A_183 : vector<16xi32>
        %parallel_loop3A_185 = arith.index_cast %parallel_loop3A_177 : i32 to index
        %parallel_loop3A_186 = arith.constant 0 : index
        %parallel_loop3A_187 = tpu.vector_load %arg12[%parallel_loop3A_185, %parallel_loop3A_186] {strides = array<i32>} : memref<256x64xi32, #tpu.memory_space<vmem>>, vector<1x16xi32>,
        %parallel_loop3A_188 = vector.shape_cast %parallel_loop3A_187 : vector<1x16xi32> to vector<16xi32>
        %parallel_loop3A_189 = arith.constant 65535 : i32
        %parallel_loop3A_190 = vector.broadcast %parallel_loop3A_189 : i32 to vector<16xi32>
        %parallel_loop3A_191 = arith.andi %parallel_loop3A_188, %parallel_loop3A_190 : vector<16xi32>
        %parallel_loop3A_192 = arith.ori %parallel_loop3A_184, %parallel_loop3A_191 : vector<16xi32>
        %parallel_loop3A_193 = arith.index_cast %parallel_loop3A_177 : i32 to index
        %parallel_loop3A_194 = arith.constant 0 : index
        %parallel_loop3A_195 = tpu.vector_load %arg11[%parallel_loop3A_193, %parallel_loop3A_194] {strides = array<i32>} : memref<256x64xi32, #tpu.memory_space<vmem>>, vector<1x16xi32>,
        %parallel_loop3A_196 = vector.shape_cast %parallel_loop3A_195 : vector<1x16xi32> to vector<16xi32>
        %parallel_loop3A_197 = vector.shape_cast %parallel_loop3A_192 : vector<16xi32> to vector<1x16xi32>
        tpu.vector_store %arg11[%parallel_loop3A_193, %parallel_loop3A_194], %parallel_loop3A_197 {strides = array<i32>} : memref<256x64xi32, #tpu.memory_space<vmem>>, vector<1x16xi32>,
        %parallel_loop3A_198 = arith.index_cast %parallel_loop3A_177 : i32 to index
        %parallel_loop3A_199 = arith.constant 16 : index
        %parallel_loop3A_200 = tpu.vector_load %arg11[%parallel_loop3A_198, %parallel_loop3A_199] {strides = array<i32>} : memref<256x64xi32, #tpu.memory_space<vmem>>, vector<1x16xi32>,
        %parallel_loop3A_201 = vector.shape_cast %parallel_loop3A_200 : vector<1x16xi32> to vector<16xi32>
        %parallel_loop3A_202 = arith.constant -65536 : i32
        %parallel_loop3A_203 = vector.broadcast %parallel_loop3A_202 : i32 to vector<16xi32>
        %parallel_loop3A_204 = arith.andi %parallel_loop3A_201, %parallel_loop3A_203 : vector<16xi32>
        %parallel_loop3A_205 = arith.index_cast %parallel_loop3A_177 : i32 to index
        %parallel_loop3A_206 = arith.constant 16 : index
        %parallel_loop3A_207 = tpu.vector_load %arg12[%parallel_loop3A_205, %parallel_loop3A_206] {strides = array<i32>} : memref<256x64xi32, #tpu.memory_space<vmem>>, vector<1x16xi32>,
        %parallel_loop3A_208 = vector.shape_cast %parallel_loop3A_207 : vector<1x16xi32> to vector<16xi32>
        %parallel_loop3A_209 = arith.constant 65535 : i32
        %parallel_loop3A_210 = vector.broadcast %parallel_loop3A_209 : i32 to vector<16xi32>
        %parallel_loop3A_211 = arith.andi %parallel_loop3A_208, %parallel_loop3A_210 : vector<16xi32>
        %parallel_loop3A_212 = arith.ori %parallel_loop3A_204, %parallel_loop3A_211 : vector<16xi32>
        %parallel_loop3A_213 = arith.index_cast %parallel_loop3A_177 : i32 to index
        %parallel_loop3A_214 = arith.constant 16 : index
        %parallel_loop3A_215 = tpu.vector_load %arg11[%parallel_loop3A_213, %parallel_loop3A_214] {strides = array<i32>} : memref<256x64xi32, #tpu.memory_space<vmem>>, vector<1x16xi32>,
        %parallel_loop3A_216 = vector.shape_cast %parallel_loop3A_215 : vector<1x16xi32> to vector<16xi32>
        %parallel_loop3A_217 = vector.shape_cast %parallel_loop3A_212 : vector<16xi32> to vector<1x16xi32>
        tpu.vector_store %arg11[%parallel_loop3A_213, %parallel_loop3A_214], %parallel_loop3A_217 {strides = array<i32>} : memref<256x64xi32, #tpu.memory_space<vmem>>, vector<1x16xi32>,
        %parallel_loop3A_218 = arith.index_cast %parallel_loop3A_177 : i32 to index
        %parallel_loop3A_219 = arith.constant 32 : index
        %parallel_loop3A_220 = tpu.vector_load %arg11[%parallel_loop3A_218, %parallel_loop3A_219] {strides = array<i32>} : memref<256x64xi32, #tpu.memory_space<vmem>>, vector<1x16xi32>,
        %parallel_loop3A_221 = vector.shape_cast %parallel_loop3A_220 : vector<1x16xi32> to vector<16xi32>
        %parallel_loop3A_222 = arith.constant -65536 : i32
        %parallel_loop3A_223 = vector.broadcast %parallel_loop3A_222 : i32 to vector<16xi32>
        %parallel_loop3A_224 = arith.andi %parallel_loop3A_221, %parallel_loop3A_223 : vector<16xi32>
        %parallel_loop3A_225 = arith.index_cast %parallel_loop3A_177 : i32 to index
        %parallel_loop3A_226 = arith.constant 32 : index
        %parallel_loop3A_227 = tpu.vector_load %arg12[%parallel_loop3A_225, %parallel_loop3A_226] {strides = array<i32>} : memref<256x64xi32, #tpu.memory_space<vmem>>, vector<1x16xi32>,
        %parallel_loop3A_228 = vector.shape_cast %parallel_loop3A_227 : vector<1x16xi32> to vector<16xi32>
        %parallel_loop3A_229 = arith.constant 65535 : i32
        %parallel_loop3A_230 = vector.broadcast %parallel_loop3A_229 : i32 to vector<16xi32>
        %parallel_loop3A_231 = arith.andi %parallel_loop3A_228, %parallel_loop3A_230 : vector<16xi32>
        %parallel_loop3A_232 = arith.ori %parallel_loop3A_224, %parallel_loop3A_231 : vector<16xi32>
        %parallel_loop3A_233 = arith.index_cast %parallel_loop3A_177 : i32 to index
        %parallel_loop3A_234 = arith.constant 32 : index
        %parallel_loop3A_235 = tpu.vector_load %arg11[%parallel_loop3A_233, %parallel_loop3A_234] {strides = array<i32>} : memref<256x64xi32, #tpu.memory_space<vmem>>, vector<1x16xi32>,
        %parallel_loop3A_236 = vector.shape_cast %parallel_loop3A_235 : vector<1x16xi32> to vector<16xi32>
        %parallel_loop3A_237 = vector.shape_cast %parallel_loop3A_232 : vector<16xi32> to vector<1x16xi32>
        tpu.vector_store %arg11[%parallel_loop3A_233, %parallel_loop3A_234], %parallel_loop3A_237 {strides = array<i32>} : memref<256x64xi32, #tpu.memory_space<vmem>>, vector<1x16xi32>,
        %parallel_loop3A_238 = arith.index_cast %parallel_loop3A_177 : i32 to index
        %parallel_loop3A_239 = arith.constant 48 : index
        %parallel_loop3A_240 = tpu.vector_load %arg11[%parallel_loop3A_238, %parallel_loop3A_239] {strides = array<i32>} : memref<256x64xi32, #tpu.memory_space<vmem>>, vector<1x16xi32>,
        %parallel_loop3A_241 = vector.shape_cast %parallel_loop3A_240 : vector<1x16xi32> to vector<16xi32>
        %parallel_loop3A_242 = arith.constant -65536 : i32
        %parallel_loop3A_243 = vector.broadcast %parallel_loop3A_242 : i32 to vector<16xi32>
        %parallel_loop3A_244 = arith.andi %parallel_loop3A_241, %parallel_loop3A_243 : vector<16xi32>
        %parallel_loop3A_245 = arith.index_cast %parallel_loop3A_177 : i32 to index
        %parallel_loop3A_246 = arith.constant 48 : index
        %parallel_loop3A_247 = tpu.vector_load %arg12[%parallel_loop3A_245, %parallel_loop3A_246] {strides = array<i32>} : memref<256x64xi32, #tpu.memory_space<vmem>>, vector<1x16xi32>,
        %parallel_loop3A_248 = vector.shape_cast %parallel_loop3A_247 : vector<1x16xi32> to vector<16xi32>
        %parallel_loop3A_249 = arith.constant 65535 : i32
        %parallel_loop3A_250 = vector.broadcast %parallel_loop3A_249 : i32 to vector<16xi32>
        %parallel_loop3A_251 = arith.andi %parallel_loop3A_248, %parallel_loop3A_250 : vector<16xi32>
        %parallel_loop3A_252 = arith.ori %parallel_loop3A_244, %parallel_loop3A_251 : vector<16xi32>
        %parallel_loop3A_253 = arith.index_cast %parallel_loop3A_177 : i32 to index
        %parallel_loop3A_254 = arith.constant 48 : index
        %parallel_loop3A_255 = tpu.vector_load %arg11[%parallel_loop3A_253, %parallel_loop3A_254] {strides = array<i32>} : memref<256x64xi32, #tpu.memory_space<vmem>>, vector<1x16xi32>,
        %parallel_loop3A_256 = vector.shape_cast %parallel_loop3A_255 : vector<1x16xi32> to vector<16xi32>
        %parallel_loop3A_257 = vector.shape_cast %parallel_loop3A_252 : vector<16xi32> to vector<1x16xi32>
        tpu.vector_store %arg11[%parallel_loop3A_253, %parallel_loop3A_254], %parallel_loop3A_257 {strides = array<i32>} : memref<256x64xi32, #tpu.memory_space<vmem>>, vector<1x16xi32>,
      } {sc.loop_unroll_factor = 8 : i64, sc.parallel_access}
      %add3A_164 = arith.constant 1 : i32
      %add3A_165 = arith.addi %mul3A_111, %add3A_164 : i32
      %mul3A_166 = arith.constant 256 : i32
      %mul3A_167 = arith.muli %add3A_165, %mul3A_166 : i32
      %add3A_168 = arith.addi %multiple_of3A_14, %mul3A_167 : i32
      %multiple_of3A_169 = tpu.assume_multiple %add3A_168, 8 : i32
      %dma_start3A_170 = tpu.memref_slice %arg5[%multiple_of3A_169, %multiple_of3A_38] : memref<80000x128xi32, #tpu.memory_space<hbm>> -> memref<256x64xi32, #tpu.memory_space<hbm>>
      %dma_start3A_171 = tpu.memref_slice %arg5[%multiple_of3A_169, %multiple_of3A_38] : memref<80000x128xi32, #tpu.memory_space<hbm>> -> memref<256x64xi32, #tpu.memory_space<hbm>>
      tpu.enqueue_dma source(%arg11 : memref<256x64xi32, #tpu.memory_space<vmem>>) target(%dma_start3A_171 : memref<256x64xi32, #tpu.memory_space<hbm>>) target_semaphore(%arg16 : memref<!tpu.dma_semaphore, #tpu.memory_space<semaphore_mem>>)
      %dma_wait3A_172 = tpu.memref_slice %arg5[%multiple_of3A_150, %multiple_of3A_38] : memref<80000x128xi32, #tpu.memory_space<hbm>> -> memref<256x64xi32, #tpu.memory_space<hbm>>
      %dma_wait3A_173 = tpu.memref_slice %arg5[%multiple_of3A_150, %multiple_of3A_38] : memref<80000x128xi32, #tpu.memory_space<hbm>> -> memref<256x64xi32, #tpu.memory_space<hbm>>
      tpu.wait_dma2 semaphore(%arg15 : memref<!tpu.dma_semaphore, #tpu.memory_space<semaphore_mem>>) src(%arg9 : memref<256x64xi32, #tpu.memory_space<vmem>>) dst(%dma_wait3A_173 : memref<256x64xi32, #tpu.memory_space<hbm>>)
      %dma_wait3A_174 = tpu.memref_slice %arg5[%multiple_of3A_169, %multiple_of3A_38] : memref<80000x128xi32, #tpu.memory_space<hbm>> -> memref<256x64xi32, #tpu.memory_space<hbm>>
      %dma_wait3A_175 = tpu.memref_slice %arg5[%multiple_of3A_169, %multiple_of3A_38] : memref<80000x128xi32, #tpu.memory_space<hbm>> -> memref<256x64xi32, #tpu.memory_space<hbm>>
      tpu.wait_dma2 semaphore(%arg16 : memref<!tpu.dma_semaphore, #tpu.memory_space<semaphore_mem>>) src(%arg11 : memref<256x64xi32, #tpu.memory_space<vmem>>) dst(%dma_wait3A_175 : memref<256x64xi32, #tpu.memory_space<hbm>>)
      %scan3A_176 = arith.constant 0 : i32
      scf.yield %scan3A_176 : i32
    }
    %scan3A_46 = arith.constant 9 : i32
    %multiple_of3A_47 = arith.constant 4608 : i32
    %multiple_of3A_48 = tpu.assume_multiple %multiple_of3A_47, 8 : i32
    %dma_start3A = tpu.memref_slice %arg7[%multiple_of3A_48] : memref<5000xi32, #tpu.memory_space<vmem>> -> memref<256xi32, #tpu.memory_space<vmem>>
    %dma_start3A_49 = arith.constant 0 : i32
    %dma_start3A_50 = arith.constant 0 : i32
    %dma_start3A_51 = tpu.memref_slice %arg6[%dma_start3A_49, %dma_start3A_50] : memref<10000x64xi32, #tpu.memory_space<vmem_shared>> -> memref<10000x64xi32, #tpu.memory_space<vmem_shared>>
    tpu.enqueue_indirect_dma source(%dma_start3A_51 : memref<10000x64xi32, #tpu.memory_space<vmem_shared>>) target(%arg9 : memref<256x64xi32, #tpu.memory_space<vmem>>) offsets(%dma_start3A : memref<256xi32, #tpu.memory_space<vmem>>) semaphore(%arg13 : memref<!tpu.dma_semaphore, #tpu.memory_space<semaphore_mem>>)
    %dma_start3A_52 = tpu.memref_slice %arg8[%multiple_of3A_48] : memref<5000xi32, #tpu.memory_space<vmem>> -> memref<256xi32, #tpu.memory_space<vmem>>
    %dma_start3A_53 = arith.constant 0 : i32
    %dma_start3A_54 = arith.constant 0 : i32
    %dma_start3A_55 = tpu.memref_slice %arg6[%dma_start3A_53, %dma_start3A_54] : memref<10000x64xi32, #tpu.memory_space<vmem_shared>> -> memref<10000x64xi32, #tpu.memory_space<vmem_shared>>
    tpu.enqueue_indirect_dma source(%dma_start3A_55 : memref<10000x64xi32, #tpu.memory_space<vmem_shared>>) target(%arg10 : memref<256x64xi32, #tpu.memory_space<vmem>>) offsets(%dma_start3A_52 : memref<256xi32, #tpu.memory_space<vmem>>) semaphore(%arg13 : memref<!tpu.dma_semaphore, #tpu.memory_space<semaphore_mem>>)
    %multiple_of3A_56 = arith.constant 4864 : i32
    %multiple_of3A_57 = tpu.assume_multiple %multiple_of3A_56, 8 : i32
    %dma_start3A_58 = arith.constant 0 : i32
    %dma_start3A_59 = arith.constant 0 : i32
    %dma_start3A_60 = tpu.memref_slice %arg11[%dma_start3A_58, %dma_start3A_59] : memref<256x64xi32, #tpu.memory_space<vmem>> -> memref<136x64xi32, #tpu.memory_space<vmem>>
    %dma_start3A_61 = tpu.memref_slice %arg7[%multiple_of3A_57] : memref<5000xi32, #tpu.memory_space<vmem>> -> memref<136xi32, #tpu.memory_space<vmem>>
    %dma_start3A_62 = arith.constant 0 : i32
    %dma_start3A_63 = arith.constant 0 : i32
    %dma_start3A_64 = tpu.memref_slice %arg6[%dma_start3A_62, %dma_start3A_63] : memref<10000x64xi32, #tpu.memory_space<vmem_shared>> -> memref<10000x64xi32, #tpu.memory_space<vmem_shared>>
    tpu.enqueue_indirect_dma source(%dma_start3A_64 : memref<10000x64xi32, #tpu.memory_space<vmem_shared>>) target(%dma_start3A_60 : memref<136x64xi32, #tpu.memory_space<vmem>>) offsets(%dma_start3A_61 : memref<136xi32, #tpu.memory_space<vmem>>) semaphore(%arg17 : memref<!tpu.dma_semaphore, #tpu.memory_space<semaphore_mem>>)
    %dma_start3A_65 = arith.constant 0 : i32
    %dma_start3A_66 = arith.constant 0 : i32
    %dma_start3A_67 = tpu.memref_slice %arg12[%dma_start3A_65, %dma_start3A_66] : memref<256x64xi32, #tpu.memory_space<vmem>> -> memref<136x64xi32, #tpu.memory_space<vmem>>
    %dma_start3A_68 = tpu.memref_slice %arg8[%multiple_of3A_57] : memref<5000xi32, #tpu.memory_space<vmem>> -> memref<136xi32, #tpu.memory_space<vmem>>
    %dma_start3A_69 = arith.constant 0 : i32
    %dma_start3A_70 = arith.constant 0 : i32
    %dma_start3A_71 = tpu.memref_slice %arg6[%dma_start3A_69, %dma_start3A_70] : memref<10000x64xi32, #tpu.memory_space<vmem_shared>> -> memref<10000x64xi32, #tpu.memory_space<vmem_shared>>
    tpu.enqueue_indirect_dma source(%dma_start3A_71 : memref<10000x64xi32, #tpu.memory_space<vmem_shared>>) target(%dma_start3A_67 : memref<136x64xi32, #tpu.memory_space<vmem>>) offsets(%dma_start3A_68 : memref<136xi32, #tpu.memory_space<vmem>>) semaphore(%arg17 : memref<!tpu.dma_semaphore, #tpu.memory_space<semaphore_mem>>)
    %dma_wait3A = tpu.memref_slice %arg7[%multiple_of3A_48] : memref<5000xi32, #tpu.memory_space<vmem>> -> memref<256xi32, #tpu.memory_space<vmem>>
    %dma_wait3A_72 = arith.constant 0 : i32
    %dma_wait3A_73 = arith.constant 0 : i32
    %dma_wait3A_74 = tpu.memref_slice %arg6[%dma_wait3A_72, %dma_wait3A_73] : memref<10000x64xi32, #tpu.memory_space<vmem_shared>> -> memref<10000x64xi32, #tpu.memory_space<vmem_shared>>
    tpu.wait_indirect_dma semaphore(%arg13 : memref<!tpu.dma_semaphore, #tpu.memory_space<semaphore_mem>>) src(%dma_wait3A_74 : memref<10000x64xi32, #tpu.memory_space<vmem_shared>>) dst(%arg9 : memref<256x64xi32, #tpu.memory_space<vmem>>)
    %dma_wait3A_75 = tpu.memref_slice %arg8[%multiple_of3A_48] : memref<5000xi32, #tpu.memory_space<vmem>> -> memref<256xi32, #tpu.memory_space<vmem>>
    %dma_wait3A_76 = arith.constant 0 : i32
    %dma_wait3A_77 = arith.constant 0 : i32
    %dma_wait3A_78 = tpu.memref_slice %arg6[%dma_wait3A_76, %dma_wait3A_77] : memref<10000x64xi32, #tpu.memory_space<vmem_shared>> -> memref<10000x64xi32, #tpu.memory_space<vmem_shared>>
    tpu.wait_indirect_dma semaphore(%arg13 : memref<!tpu.dma_semaphore, #tpu.memory_space<semaphore_mem>>) src(%dma_wait3A_78 : memref<10000x64xi32, #tpu.memory_space<vmem_shared>>) dst(%arg10 : memref<256x64xi32, #tpu.memory_space<vmem>>)
    %parallel_loop3A = arith.constant 0 : i32
    %parallel_loop3A_79 = arith.constant 256 : i32
    %parallel_loop3A_80 = arith.constant 1 : i32
    scf.for %parallel_loop3A_108 = %parallel_loop3A to %parallel_loop3A_79 step %parallel_loop3A_80  : i32 {
      %parallel_loop3A_109 = arith.index_cast %parallel_loop3A_108 : i32 to index
      %parallel_loop3A_110 = arith.constant 0 : index
      %parallel_loop3A_111 = tpu.vector_load %arg9[%parallel_loop3A_109, %parallel_loop3A_110] {strides = array<i32>} : memref<256x64xi32, #tpu.memory_space<vmem>>, vector<1x16xi32>,
      %parallel_loop3A_112 = vector.shape_cast %parallel_loop3A_111 : vector<1x16xi32> to vector<16xi32>
      %parallel_loop3A_113 = arith.constant -65536 : i32
      %parallel_loop3A_114 = vector.broadcast %parallel_loop3A_113 : i32 to vector<16xi32>
      %parallel_loop3A_115 = arith.andi %parallel_loop3A_112, %parallel_loop3A_114 : vector<16xi32>
      %parallel_loop3A_116 = arith.index_cast %parallel_loop3A_108 : i32 to index
      %parallel_loop3A_117 = arith.constant 0 : index
      %parallel_loop3A_118 = tpu.vector_load %arg10[%parallel_loop3A_116, %parallel_loop3A_117] {strides = array<i32>} : memref<256x64xi32, #tpu.memory_space<vmem>>, vector<1x16xi32>,
      %parallel_loop3A_119 = vector.shape_cast %parallel_loop3A_118 : vector<1x16xi32> to vector<16xi32>
      %parallel_loop3A_120 = arith.constant 65535 : i32
      %parallel_loop3A_121 = vector.broadcast %parallel_loop3A_120 : i32 to vector<16xi32>
      %parallel_loop3A_122 = arith.andi %parallel_loop3A_119, %parallel_loop3A_121 : vector<16xi32>
      %parallel_loop3A_123 = arith.ori %parallel_loop3A_115, %parallel_loop3A_122 : vector<16xi32>
      %parallel_loop3A_124 = arith.index_cast %parallel_loop3A_108 : i32 to index
      %parallel_loop3A_125 = arith.constant 0 : index
      %parallel_loop3A_126 = tpu.vector_load %arg9[%parallel_loop3A_124, %parallel_loop3A_125] {strides = array<i32>} : memref<256x64xi32, #tpu.memory_space<vmem>>, vector<1x16xi32>,
      %parallel_loop3A_127 = vector.shape_cast %parallel_loop3A_126 : vector<1x16xi32> to vector<16xi32>
      %parallel_loop3A_128 = vector.shape_cast %parallel_loop3A_123 : vector<16xi32> to vector<1x16xi32>
      tpu.vector_store %arg9[%parallel_loop3A_124, %parallel_loop3A_125], %parallel_loop3A_128 {strides = array<i32>} : memref<256x64xi32, #tpu.memory_space<vmem>>, vector<1x16xi32>,
      %parallel_loop3A_129 = arith.index_cast %parallel_loop3A_108 : i32 to index
      %parallel_loop3A_130 = arith.constant 16 : index
      %parallel_loop3A_131 = tpu.vector_load %arg9[%parallel_loop3A_129, %parallel_loop3A_130] {strides = array<i32>} : memref<256x64xi32, #tpu.memory_space<vmem>>, vector<1x16xi32>,
      %parallel_loop3A_132 = vector.shape_cast %parallel_loop3A_131 : vector<1x16xi32> to vector<16xi32>
      %parallel_loop3A_133 = arith.constant -65536 : i32
      %parallel_loop3A_134 = vector.broadcast %parallel_loop3A_133 : i32 to vector<16xi32>
      %parallel_loop3A_135 = arith.andi %parallel_loop3A_132, %parallel_loop3A_134 : vector<16xi32>
      %parallel_loop3A_136 = arith.index_cast %parallel_loop3A_108 : i32 to index
      %parallel_loop3A_137 = arith.constant 16 : index
      %parallel_loop3A_138 = tpu.vector_load %arg10[%parallel_loop3A_136, %parallel_loop3A_137] {strides = array<i32>} : memref<256x64xi32, #tpu.memory_space<vmem>>, vector<1x16xi32>,
      %parallel_loop3A_139 = vector.shape_cast %parallel_loop3A_138 : vector<1x16xi32> to vector<16xi32>
      %parallel_loop3A_140 = arith.constant 65535 : i32
      %parallel_loop3A_141 = vector.broadcast %parallel_loop3A_140 : i32 to vector<16xi32>
      %parallel_loop3A_142 = arith.andi %parallel_loop3A_139, %parallel_loop3A_141 : vector<16xi32>
      %parallel_loop3A_143 = arith.ori %parallel_loop3A_135, %parallel_loop3A_142 : vector<16xi32>
      %parallel_loop3A_144 = arith.index_cast %parallel_loop3A_108 : i32 to index
      %parallel_loop3A_145 = arith.constant 16 : index
      %parallel_loop3A_146 = tpu.vector_load %arg9[%parallel_loop3A_144, %parallel_loop3A_145] {strides = array<i32>} : memref<256x64xi32, #tpu.memory_space<vmem>>, vector<1x16xi32>,
      %parallel_loop3A_147 = vector.shape_cast %parallel_loop3A_146 : vector<1x16xi32> to vector<16xi32>
      %parallel_loop3A_148 = vector.shape_cast %parallel_loop3A_143 : vector<16xi32> to vector<1x16xi32>
      tpu.vector_store %arg9[%parallel_loop3A_144, %parallel_loop3A_145], %parallel_loop3A_148 {strides = array<i32>} : memref<256x64xi32, #tpu.memory_space<vmem>>, vector<1x16xi32>,
      %parallel_loop3A_149 = arith.index_cast %parallel_loop3A_108 : i32 to index
      %parallel_loop3A_150 = arith.constant 32 : index
      %parallel_loop3A_151 = tpu.vector_load %arg9[%parallel_loop3A_149, %parallel_loop3A_150] {strides = array<i32>} : memref<256x64xi32, #tpu.memory_space<vmem>>, vector<1x16xi32>,
      %parallel_loop3A_152 = vector.shape_cast %parallel_loop3A_151 : vector<1x16xi32> to vector<16xi32>
      %parallel_loop3A_153 = arith.constant -65536 : i32
      %parallel_loop3A_154 = vector.broadcast %parallel_loop3A_153 : i32 to vector<16xi32>
      %parallel_loop3A_155 = arith.andi %parallel_loop3A_152, %parallel_loop3A_154 : vector<16xi32>
      %parallel_loop3A_156 = arith.index_cast %parallel_loop3A_108 : i32 to index
      %parallel_loop3A_157 = arith.constant 32 : index
      %parallel_loop3A_158 = tpu.vector_load %arg10[%parallel_loop3A_156, %parallel_loop3A_157] {strides = array<i32>} : memref<256x64xi32, #tpu.memory_space<vmem>>, vector<1x16xi32>,
      %parallel_loop3A_159 = vector.shape_cast %parallel_loop3A_158 : vector<1x16xi32> to vector<16xi32>
      %parallel_loop3A_160 = arith.constant 65535 : i32
      %parallel_loop3A_161 = vector.broadcast %parallel_loop3A_160 : i32 to vector<16xi32>
      %parallel_loop3A_162 = arith.andi %parallel_loop3A_159, %parallel_loop3A_161 : vector<16xi32>
      %parallel_loop3A_163 = arith.ori %parallel_loop3A_155, %parallel_loop3A_162 : vector<16xi32>
      %parallel_loop3A_164 = arith.index_cast %parallel_loop3A_108 : i32 to index
      %parallel_loop3A_165 = arith.constant 32 : index
      %parallel_loop3A_166 = tpu.vector_load %arg9[%parallel_loop3A_164, %parallel_loop3A_165] {strides = array<i32>} : memref<256x64xi32, #tpu.memory_space<vmem>>, vector<1x16xi32>,
      %parallel_loop3A_167 = vector.shape_cast %parallel_loop3A_166 : vector<1x16xi32> to vector<16xi32>
      %parallel_loop3A_168 = vector.shape_cast %parallel_loop3A_163 : vector<16xi32> to vector<1x16xi32>
      tpu.vector_store %arg9[%parallel_loop3A_164, %parallel_loop3A_165], %parallel_loop3A_168 {strides = array<i32>} : memref<256x64xi32, #tpu.memory_space<vmem>>, vector<1x16xi32>,
      %parallel_loop3A_169 = arith.index_cast %parallel_loop3A_108 : i32 to index
      %parallel_loop3A_170 = arith.constant 48 : index
      %parallel_loop3A_171 = tpu.vector_load %arg9[%parallel_loop3A_169, %parallel_loop3A_170] {strides = array<i32>} : memref<256x64xi32, #tpu.memory_space<vmem>>, vector<1x16xi32>,
      %parallel_loop3A_172 = vector.shape_cast %parallel_loop3A_171 : vector<1x16xi32> to vector<16xi32>
      %parallel_loop3A_173 = arith.constant -65536 : i32
      %parallel_loop3A_174 = vector.broadcast %parallel_loop3A_173 : i32 to vector<16xi32>
      %parallel_loop3A_175 = arith.andi %parallel_loop3A_172, %parallel_loop3A_174 : vector<16xi32>
      %parallel_loop3A_176 = arith.index_cast %parallel_loop3A_108 : i32 to index
      %parallel_loop3A_177 = arith.constant 48 : index
      %parallel_loop3A_178 = tpu.vector_load %arg10[%parallel_loop3A_176, %parallel_loop3A_177] {strides = array<i32>} : memref<256x64xi32, #tpu.memory_space<vmem>>, vector<1x16xi32>,
      %parallel_loop3A_179 = vector.shape_cast %parallel_loop3A_178 : vector<1x16xi32> to vector<16xi32>
      %parallel_loop3A_180 = arith.constant 65535 : i32
      %parallel_loop3A_181 = vector.broadcast %parallel_loop3A_180 : i32 to vector<16xi32>
      %parallel_loop3A_182 = arith.andi %parallel_loop3A_179, %parallel_loop3A_181 : vector<16xi32>
      %parallel_loop3A_183 = arith.ori %parallel_loop3A_175, %parallel_loop3A_182 : vector<16xi32>
      %parallel_loop3A_184 = arith.index_cast %parallel_loop3A_108 : i32 to index
      %parallel_loop3A_185 = arith.constant 48 : index
      %parallel_loop3A_186 = tpu.vector_load %arg9[%parallel_loop3A_184, %parallel_loop3A_185] {strides = array<i32>} : memref<256x64xi32, #tpu.memory_space<vmem>>, vector<1x16xi32>,
      %parallel_loop3A_187 = vector.shape_cast %parallel_loop3A_186 : vector<1x16xi32> to vector<16xi32>
      %parallel_loop3A_188 = vector.shape_cast %parallel_loop3A_183 : vector<16xi32> to vector<1x16xi32>
      tpu.vector_store %arg9[%parallel_loop3A_184, %parallel_loop3A_185], %parallel_loop3A_188 {strides = array<i32>} : memref<256x64xi32, #tpu.memory_space<vmem>>, vector<1x16xi32>,
    } {sc.loop_unroll_factor = 8 : i64, sc.parallel_access}
    %add3A_81 = arith.constant 4608 : i32
    %add3A_82 = arith.addi %multiple_of3A_14, %add3A_81 : i32
    %multiple_of3A_83 = tpu.assume_multiple %add3A_82, 8 : i32
    %dma_start3A_84 = tpu.memref_slice %arg5[%multiple_of3A_83, %multiple_of3A_38] : memref<80000x128xi32, #tpu.memory_space<hbm>> -> memref<256x64xi32, #tpu.memory_space<hbm>>
    %dma_start3A_85 = tpu.memref_slice %arg5[%multiple_of3A_83, %multiple_of3A_38] : memref<80000x128xi32, #tpu.memory_space<hbm>> -> memref<256x64xi32, #tpu.memory_space<hbm>>
    tpu.enqueue_dma source(%arg9 : memref<256x64xi32, #tpu.memory_space<vmem>>) target(%dma_start3A_85 : memref<256x64xi32, #tpu.memory_space<hbm>>) target_semaphore(%arg15 : memref<!tpu.dma_semaphore, #tpu.memory_space<semaphore_mem>>)
    %dma_wait3A_86 = arith.constant 0 : i32
    %dma_wait3A_87 = arith.constant 0 : i32
    %dma_wait3A_88 = tpu.memref_slice %arg11[%dma_wait3A_86, %dma_wait3A_87] : memref<256x64xi32, #tpu.memory_space<vmem>> -> memref<136x64xi32, #tpu.memory_space<vmem>>
    %dma_wait3A_89 = tpu.memref_slice %arg7[%multiple_of3A_57] : memref<5000xi32, #tpu.memory_space<vmem>> -> memref<136xi32, #tpu.memory_space<vmem>>
    %dma_wait3A_90 = arith.constant 0 : i32
    %dma_wait3A_91 = arith.constant 0 : i32
    %dma_wait3A_92 = tpu.memref_slice %arg6[%dma_wait3A_90, %dma_wait3A_91] : memref<10000x64xi32, #tpu.memory_space<vmem_shared>> -> memref<10000x64xi32, #tpu.memory_space<vmem_shared>>
    tpu.wait_indirect_dma semaphore(%arg17 : memref<!tpu.dma_semaphore, #tpu.memory_space<semaphore_mem>>) src(%dma_wait3A_92 : memref<10000x64xi32, #tpu.memory_space<vmem_shared>>) dst(%dma_wait3A_88 : memref<136x64xi32, #tpu.memory_space<vmem>>)
    %dma_wait3A_93 = arith.constant 0 : i32
    %dma_wait3A_94 = arith.constant 0 : i32
    %dma_wait3A_95 = tpu.memref_slice %arg12[%dma_wait3A_93, %dma_wait3A_94] : memref<256x64xi32, #tpu.memory_space<vmem>> -> memref<136x64xi32, #tpu.memory_space<vmem>>
    %dma_wait3A_96 = tpu.memref_slice %arg8[%multiple_of3A_57] : memref<5000xi32, #tpu.memory_space<vmem>> -> memref<136xi32, #tpu.memory_space<vmem>>
    %dma_wait3A_97 = arith.constant 0 : i32
    %dma_wait3A_98 = arith.constant 0 : i32
    %dma_wait3A_99 = tpu.memref_slice %arg6[%dma_wait3A_97, %dma_wait3A_98] : memref<10000x64xi32, #tpu.memory_space<vmem_shared>> -> memref<10000x64xi32, #tpu.memory_space<vmem_shared>>
    tpu.wait_indirect_dma semaphore(%arg17 : memref<!tpu.dma_semaphore, #tpu.memory_space<semaphore_mem>>) src(%dma_wait3A_99 : memref<10000x64xi32, #tpu.memory_space<vmem_shared>>) dst(%dma_wait3A_95 : memref<136x64xi32, #tpu.memory_space<vmem>>)
    %parallel_loop3A_100 = arith.constant 0 : i32
    %parallel_loop3A_101 = arith.constant 136 : i32
    %parallel_loop3A_102 = arith.constant 1 : i32
    scf.for %parallel_loop3A_108 = %parallel_loop3A_100 to %parallel_loop3A_101 step %parallel_loop3A_102  : i32 {
      %parallel_loop3A_109 = arith.index_cast %parallel_loop3A_108 : i32 to index
      %parallel_loop3A_110 = arith.constant 0 : index
      %parallel_loop3A_111 = tpu.vector_load %arg11[%parallel_loop3A_109, %parallel_loop3A_110] {strides = array<i32>} : memref<256x64xi32, #tpu.memory_space<vmem>>, vector<1x16xi32>,
      %parallel_loop3A_112 = vector.shape_cast %parallel_loop3A_111 : vector<1x16xi32> to vector<16xi32>
      %parallel_loop3A_113 = arith.constant -65536 : i32
      %parallel_loop3A_114 = vector.broadcast %parallel_loop3A_113 : i32 to vector<16xi32>
      %parallel_loop3A_115 = arith.andi %parallel_loop3A_112, %parallel_loop3A_114 : vector<16xi32>
      %parallel_loop3A_116 = arith.index_cast %parallel_loop3A_108 : i32 to index
      %parallel_loop3A_117 = arith.constant 0 : index
      %parallel_loop3A_118 = tpu.vector_load %arg12[%parallel_loop3A_116, %parallel_loop3A_117] {strides = array<i32>} : memref<256x64xi32, #tpu.memory_space<vmem>>, vector<1x16xi32>,
      %parallel_loop3A_119 = vector.shape_cast %parallel_loop3A_118 : vector<1x16xi32> to vector<16xi32>
      %parallel_loop3A_120 = arith.constant 65535 : i32
      %parallel_loop3A_121 = vector.broadcast %parallel_loop3A_120 : i32 to vector<16xi32>
      %parallel_loop3A_122 = arith.andi %parallel_loop3A_119, %parallel_loop3A_121 : vector<16xi32>
      %parallel_loop3A_123 = arith.ori %parallel_loop3A_115, %parallel_loop3A_122 : vector<16xi32>
      %parallel_loop3A_124 = arith.index_cast %parallel_loop3A_108 : i32 to index
      %parallel_loop3A_125 = arith.constant 0 : index
      %parallel_loop3A_126 = tpu.vector_load %arg11[%parallel_loop3A_124, %parallel_loop3A_125] {strides = array<i32>} : memref<256x64xi32, #tpu.memory_space<vmem>>, vector<1x16xi32>,
      %parallel_loop3A_127 = vector.shape_cast %parallel_loop3A_126 : vector<1x16xi32> to vector<16xi32>
      %parallel_loop3A_128 = vector.shape_cast %parallel_loop3A_123 : vector<16xi32> to vector<1x16xi32>
      tpu.vector_store %arg11[%parallel_loop3A_124, %parallel_loop3A_125], %parallel_loop3A_128 {strides = array<i32>} : memref<256x64xi32, #tpu.memory_space<vmem>>, vector<1x16xi32>,
      %parallel_loop3A_129 = arith.index_cast %parallel_loop3A_108 : i32 to index
      %parallel_loop3A_130 = arith.constant 16 : index
      %parallel_loop3A_131 = tpu.vector_load %arg11[%parallel_loop3A_129, %parallel_loop3A_130] {strides = array<i32>} : memref<256x64xi32, #tpu.memory_space<vmem>>, vector<1x16xi32>,
      %parallel_loop3A_132 = vector.shape_cast %parallel_loop3A_131 : vector<1x16xi32> to vector<16xi32>
      %parallel_loop3A_133 = arith.constant -65536 : i32
      %parallel_loop3A_134 = vector.broadcast %parallel_loop3A_133 : i32 to vector<16xi32>
      %parallel_loop3A_135 = arith.andi %parallel_loop3A_132, %parallel_loop3A_134 : vector<16xi32>
      %parallel_loop3A_136 = arith.index_cast %parallel_loop3A_108 : i32 to index
      %parallel_loop3A_137 = arith.constant 16 : index
      %parallel_loop3A_138 = tpu.vector_load %arg12[%parallel_loop3A_136, %parallel_loop3A_137] {strides = array<i32>} : memref<256x64xi32, #tpu.memory_space<vmem>>, vector<1x16xi32>,
      %parallel_loop3A_139 = vector.shape_cast %parallel_loop3A_138 : vector<1x16xi32> to vector<16xi32>
      %parallel_loop3A_140 = arith.constant 65535 : i32
      %parallel_loop3A_141 = vector.broadcast %parallel_loop3A_140 : i32 to vector<16xi32>
      %parallel_loop3A_142 = arith.andi %parallel_loop3A_139, %parallel_loop3A_141 : vector<16xi32>
      %parallel_loop3A_143 = arith.ori %parallel_loop3A_135, %parallel_loop3A_142 : vector<16xi32>
      %parallel_loop3A_144 = arith.index_cast %parallel_loop3A_108 : i32 to index
      %parallel_loop3A_145 = arith.constant 16 : index
      %parallel_loop3A_146 = tpu.vector_load %arg11[%parallel_loop3A_144, %parallel_loop3A_145] {strides = array<i32>} : memref<256x64xi32, #tpu.memory_space<vmem>>, vector<1x16xi32>,
      %parallel_loop3A_147 = vector.shape_cast %parallel_loop3A_146 : vector<1x16xi32> to vector<16xi32>
      %parallel_loop3A_148 = vector.shape_cast %parallel_loop3A_143 : vector<16xi32> to vector<1x16xi32>
      tpu.vector_store %arg11[%parallel_loop3A_144, %parallel_loop3A_145], %parallel_loop3A_148 {strides = array<i32>} : memref<256x64xi32, #tpu.memory_space<vmem>>, vector<1x16xi32>,
      %parallel_loop3A_149 = arith.index_cast %parallel_loop3A_108 : i32 to index
      %parallel_loop3A_150 = arith.constant 32 : index
      %parallel_loop3A_151 = tpu.vector_load %arg11[%parallel_loop3A_149, %parallel_loop3A_150] {strides = array<i32>} : memref<256x64xi32, #tpu.memory_space<vmem>>, vector<1x16xi32>,
      %parallel_loop3A_152 = vector.shape_cast %parallel_loop3A_151 : vector<1x16xi32> to vector<16xi32>
      %parallel_loop3A_153 = arith.constant -65536 : i32
      %parallel_loop3A_154 = vector.broadcast %parallel_loop3A_153 : i32 to vector<16xi32>
      %parallel_loop3A_155 = arith.andi %parallel_loop3A_152, %parallel_loop3A_154 : vector<16xi32>
      %parallel_loop3A_156 = arith.index_cast %parallel_loop3A_108 : i32 to index
      %parallel_loop3A_157 = arith.constant 32 : index
      %parallel_loop3A_158 = tpu.vector_load %arg12[%parallel_loop3A_156, %parallel_loop3A_157] {strides = array<i32>} : memref<256x64xi32, #tpu.memory_space<vmem>>, vector<1x16xi32>,
      %parallel_loop3A_159 = vector.shape_cast %parallel_loop3A_158 : vector<1x16xi32> to vector<16xi32>
      %parallel_loop3A_160 = arith.constant 65535 : i32
      %parallel_loop3A_161 = vector.broadcast %parallel_loop3A_160 : i32 to vector<16xi32>
      %parallel_loop3A_162 = arith.andi %parallel_loop3A_159, %parallel_loop3A_161 : vector<16xi32>
      %parallel_loop3A_163 = arith.ori %parallel_loop3A_155, %parallel_loop3A_162 : vector<16xi32>
      %parallel_loop3A_164 = arith.index_cast %parallel_loop3A_108 : i32 to index
      %parallel_loop3A_165 = arith.constant 32 : index
      %parallel_loop3A_166 = tpu.vector_load %arg11[%parallel_loop3A_164, %parallel_loop3A_165] {strides = array<i32>} : memref<256x64xi32, #tpu.memory_space<vmem>>, vector<1x16xi32>,
      %parallel_loop3A_167 = vector.shape_cast %parallel_loop3A_166 : vector<1x16xi32> to vector<16xi32>
      %parallel_loop3A_168 = vector.shape_cast %parallel_loop3A_163 : vector<16xi32> to vector<1x16xi32>
      tpu.vector_store %arg11[%parallel_loop3A_164, %parallel_loop3A_165], %parallel_loop3A_168 {strides = array<i32>} : memref<256x64xi32, #tpu.memory_space<vmem>>, vector<1x16xi32>,
      %parallel_loop3A_169 = arith.index_cast %parallel_loop3A_108 : i32 to index
      %parallel_loop3A_170 = arith.constant 48 : index
      %parallel_loop3A_171 = tpu.vector_load %arg11[%parallel_loop3A_169, %parallel_loop3A_170] {strides = array<i32>} : memref<256x64xi32, #tpu.memory_space<vmem>>, vector<1x16xi32>,
      %parallel_loop3A_172 = vector.shape_cast %parallel_loop3A_171 : vector<1x16xi32> to vector<16xi32>
      %parallel_loop3A_173 = arith.constant -65536 : i32
      %parallel_loop3A_174 = vector.broadcast %parallel_loop3A_173 : i32 to vector<16xi32>
      %parallel_loop3A_175 = arith.andi %parallel_loop3A_172, %parallel_loop3A_174 : vector<16xi32>
      %parallel_loop3A_176 = arith.index_cast %parallel_loop3A_108 : i32 to index
      %parallel_loop3A_177 = arith.constant 48 : index
      %parallel_loop3A_178 = tpu.vector_load %arg12[%parallel_loop3A_176, %parallel_loop3A_177] {strides = array<i32>} : memref<256x64xi32, #tpu.memory_space<vmem>>, vector<1x16xi32>,
      %parallel_loop3A_179 = vector.shape_cast %parallel_loop3A_178 : vector<1x16xi32> to vector<16xi32>
      %parallel_loop3A_180 = arith.constant 65535 : i32
      %parallel_loop3A_181 = vector.broadcast %parallel_loop3A_180 : i32 to vector<16xi32>
      %parallel_loop3A_182 = arith.andi %parallel_loop3A_179, %parallel_loop3A_181 : vector<16xi32>
      %parallel_loop3A_183 = arith.ori %parallel_loop3A_175, %parallel_loop3A_182 : vector<16xi32>
      %parallel_loop3A_184 = arith.index_cast %parallel_loop3A_108 : i32 to index
      %parallel_loop3A_185 = arith.constant 48 : index
      %parallel_loop3A_186 = tpu.vector_load %arg11[%parallel_loop3A_184, %parallel_loop3A_185] {strides = array<i32>} : memref<256x64xi32, #tpu.memory_space<vmem>>, vector<1x16xi32>,
      %parallel_loop3A_187 = vector.shape_cast %parallel_loop3A_186 : vector<1x16xi32> to vector<16xi32>
      %parallel_loop3A_188 = vector.shape_cast %parallel_loop3A_183 : vector<16xi32> to vector<1x16xi32>
      tpu.vector_store %arg11[%parallel_loop3A_184, %parallel_loop3A_185], %parallel_loop3A_188 {strides = array<i32>} : memref<256x64xi32, #tpu.memory_space<vmem>>, vector<1x16xi32>,
    } {sc.loop_unroll_factor = 8 : i64, sc.parallel_access}
    %add3A_103 = arith.constant 4864 : i32
    %add3A_104 = arith.addi %multiple_of3A_14, %add3A_103 : i32
    %multiple_of3A_105 = tpu.assume_multiple %add3A_104, 8 : i32
    "tpu.region"() ({
      %run_scoped3A = tpu.sem_alloc : memref<!tpu.dma_semaphore, #tpu.memory_space<semaphore_mem>>
      %dma_start3A_108 = arith.constant 0 : i32
      %dma_start3A_109 = arith.constant 0 : i32
      %dma_start3A_110 = tpu.memref_slice %arg11[%dma_start3A_108, %dma_start3A_109] : memref<256x64xi32, #tpu.memory_space<vmem>> -> memref<136x64xi32, #tpu.memory_space<vmem>>
      %dma_start3A_111 = tpu.memref_slice %arg5[%multiple_of3A_105, %multiple_of3A_38] : memref<80000x128xi32, #tpu.memory_space<hbm>> -> memref<136x64xi32, #tpu.memory_space<hbm>>
      %dma_start3A_112 = tpu.memref_slice %arg5[%multiple_of3A_105, %multiple_of3A_38] : memref<80000x128xi32, #tpu.memory_space<hbm>> -> memref<136x64xi32, #tpu.memory_space<hbm>>
      %dma_start3A_113 = arith.constant 0 : i32
      %dma_start3A_114 = arith.constant 0 : i32
      %dma_start3A_115 = tpu.memref_slice %arg11[%dma_start3A_113, %dma_start3A_114] : memref<256x64xi32, #tpu.memory_space<vmem>> -> memref<136x64xi32, #tpu.memory_space<vmem>>
      tpu.enqueue_dma source(%dma_start3A_115 : memref<136x64xi32, #tpu.memory_space<vmem>>) target(%dma_start3A_112 : memref<136x64xi32, #tpu.memory_space<hbm>>) target_semaphore(%run_scoped3A : memref<!tpu.dma_semaphore, #tpu.memory_space<semaphore_mem>>)
      %dma_wait3A_116 = arith.constant 0 : i32
      %dma_wait3A_117 = arith.constant 0 : i32
      %dma_wait3A_118 = tpu.memref_slice %arg11[%dma_wait3A_116, %dma_wait3A_117] : memref<256x64xi32, #tpu.memory_space<vmem>> -> memref<136x64xi32, #tpu.memory_space<vmem>>
      %dma_wait3A_119 = tpu.memref_slice %arg5[%multiple_of3A_105, %multiple_of3A_38] : memref<80000x128xi32, #tpu.memory_space<hbm>> -> memref<136x64xi32, #tpu.memory_space<hbm>>
      %dma_wait3A_120 = tpu.memref_slice %arg5[%multiple_of3A_105, %multiple_of3A_38] : memref<80000x128xi32, #tpu.memory_space<hbm>> -> memref<136x64xi32, #tpu.memory_space<hbm>>
      %dma_wait3A_121 = arith.constant 0 : i32
      %dma_wait3A_122 = arith.constant 0 : i32
      %dma_wait3A_123 = tpu.memref_slice %arg11[%dma_wait3A_121, %dma_wait3A_122] : memref<256x64xi32, #tpu.memory_space<vmem>> -> memref<136x64xi32, #tpu.memory_space<vmem>>
      tpu.wait_dma2 semaphore(%run_scoped3A : memref<!tpu.dma_semaphore, #tpu.memory_space<semaphore_mem>>) src(%dma_wait3A_123 : memref<136x64xi32, #tpu.memory_space<vmem>>) dst(%dma_wait3A_120 : memref<136x64xi32, #tpu.memory_space<hbm>>)
      tpu.yield
    }) : () -> ()
    %dma_wait3A_106 = tpu.memref_slice %arg5[%multiple_of3A_83, %multiple_of3A_38] : memref<80000x128xi32, #tpu.memory_space<hbm>> -> memref<256x64xi32, #tpu.memory_space<hbm>>
    %dma_wait3A_107 = tpu.memref_slice %arg5[%multiple_of3A_83, %multiple_of3A_38] : memref<80000x128xi32, #tpu.memory_space<hbm>> -> memref<256x64xi32, #tpu.memory_space<hbm>>
    tpu.wait_dma2 semaphore(%arg15 : memref<!tpu.dma_semaphore, #tpu.memory_space<semaphore_mem>>) src(%arg9 : memref<256x64xi32, #tpu.memory_space<vmem>>) dst(%dma_wait3A_107 : memref<256x64xi32, #tpu.memory_space<hbm>>)
    return
  }
}

module attributes {stable_mosaic.version = 14 : i64} {
  func.func @_node_body(%arg0: i32, %arg1: memref<1000x256xf32, #tpu.memory_space<vmem>>, %arg2: memref<1000x256xf32, #tpu.memory_space<vmem>>, %arg3: memref<256x256xf32, #tpu.memory_space<vmem>>, %arg4: memref<1x256xf32, #tpu.memory_space<vmem>>, %arg5: memref<256x64xf32, #tpu.memory_space<vmem>>, %arg6: memref<256x64xf32, #tpu.memory_space<vmem>>, %arg7: memref<1000x128xi32, #tpu.memory_space<vmem>>) attributes {dimension_semantics = [#tpu.dimension_semantics<arbitrary>], iteration_bounds = array<i64: 5>, scalar_prefetch = 0 : i64, scratch_operands = 0 : i64, tpu.core_type = #tpu.core_type<tc>, window_params = [{transform_indices = @transform_0, window_bounds = array<i64: 1000, 256>}, {transform_indices = @transform_1, window_bounds = array<i64: 1000, 256>}, {pipeline_mode = #tpu.pipeline_mode<synchronous>, transform_indices = @transform_2, window_bounds = array<i64: 256, 256>}, {pipeline_mode = #tpu.pipeline_mode<synchronous>, transform_indices = @transform_3, window_bounds = array<i64: 1, 256>}, {pipeline_mode = #tpu.pipeline_mode<synchronous>, transform_indices = @transform_4, window_bounds = array<i64: 256, 64>}, {pipeline_mode = #tpu.pipeline_mode<synchronous>, transform_indices = @transform_5, window_bounds = array<i64: 256, 64>}, {transform_indices = @transform_6, window_bounds = array<i64: 1000, 128>}]} {
    %get3A = arith.constant 0 : index
    %get3A_0 = arith.constant 0 : index
    %get3A_1 = vector.load %arg3[%get3A, %get3A_0] : memref<256x256xf32, #tpu.memory_space<vmem>>, vector<256x256xf32>
    %get3A_2 = arith.constant 0 : index
    %get3A_3 = arith.constant 0 : index
    %get3A_4 = vector.load %arg4[%get3A_2, %get3A_3] : memref<1x256xf32, #tpu.memory_space<vmem>>, vector<1x256xf32>
    %get3A_5 = arith.constant 0 : index
    %get3A_6 = arith.constant 0 : index
    %get3A_7 = vector.load %arg5[%get3A_5, %get3A_6] : memref<256x64xf32, #tpu.memory_space<vmem>>, vector<256x64xf32>
    %get3A_8 = arith.constant 0 : index
    %get3A_9 = arith.constant 0 : index
    %get3A_10 = vector.load %arg6[%get3A_8, %get3A_9] : memref<256x64xf32, #tpu.memory_space<vmem>>, vector<256x64xf32>
    %get3A_11 = arith.constant 0 : index
    %get3A_12 = arith.constant 0 : index
    %get3A_13 = vector.load %arg1[%get3A_11, %get3A_12] : memref<1000x256xf32, #tpu.memory_space<vmem>>, vector<1000x256xf32>
    %dot_general3A = arith.constant dense<0.000000e+00> : vector<1000x256xf32>
    %dot_general3A_14 = tpu.matmul %get3A_13, %get3A_1, %dot_general3A {dimension_numbers = #tpu.dot_dimension_numbers<[1], [0], [0], [1], [0, 0, 1, 1], [], []>, transpose_lhs_hint = false} : vector<1000x256xf32>, vector<256x256xf32>, vector<1000x256xf32> -> vector<1000x256xf32>
    %add3A = vector.broadcast %get3A_4 : vector<1x256xf32> to vector<1000x256xf32>
    %add3A_15 = arith.addf %dot_general3A_14, %add3A : vector<1000x256xf32>
    %max3A = arith.constant 0.000000e+00 : f32
    %max3A_16 = vector.broadcast %max3A : f32 to vector<1000x256xf32>
    %max3A_17 = arith.maximumf %add3A_15, %max3A_16 : vector<1000x256xf32>
    %dot_general3A_18 = arith.constant dense<0.000000e+00> : vector<1000x64xf32>
    %dot_general3A_19 = tpu.matmul %max3A_17, %get3A_7, %dot_general3A_18 {dimension_numbers = #tpu.dot_dimension_numbers<[1], [0], [0], [1], [0, 0, 1, 1], [], []>, transpose_lhs_hint = false} : vector<1000x256xf32>, vector<256x64xf32>, vector<1000x64xf32> -> vector<1000x64xf32>
    %dot_general3A_20 = arith.constant dense<0.000000e+00> : vector<1000x64xf32>
    %dot_general3A_21 = tpu.matmul %max3A_17, %get3A_10, %dot_general3A_20 {dimension_numbers = #tpu.dot_dimension_numbers<[1], [0], [0], [1], [0, 0, 1, 1], [], []>, transpose_lhs_hint = false} : vector<1000x256xf32>, vector<256x64xf32>, vector<1000x64xf32> -> vector<1000x64xf32>
    %bitcast_convert_type3A = tpu.bitcast %dot_general3A_19 : vector<1000x64xf32> -> vector<1000x64xi32>
    %bitcast_convert_type3A_22 = tpu.bitcast %dot_general3A_21 : vector<1000x64xf32> -> vector<1000x64xi32>
    %add3A_23 = arith.constant 32768 : i32
    %add3A_24 = vector.broadcast %add3A_23 : i32 to vector<1000x64xi32>
    %add3A_25 = arith.addi %bitcast_convert_type3A, %add3A_24 : vector<1000x64xi32>
    %and3A = arith.constant -65536 : i32
    %and3A_26 = vector.broadcast %and3A : i32 to vector<1000x64xi32>
    %and3A_27 = arith.andi %add3A_25, %and3A_26 : vector<1000x64xi32>
    %add3A_28 = arith.constant 32768 : i32
    %add3A_29 = vector.broadcast %add3A_28 : i32 to vector<1000x64xi32>
    %add3A_30 = arith.addi %bitcast_convert_type3A_22, %add3A_29 : vector<1000x64xi32>
    %shift_right_logical3A = arith.constant 16 : i32
    %shift_right_logical3A_31 = vector.broadcast %shift_right_logical3A : i32 to vector<1000x64xi32>
    %shift_right_logical3A_32 = arith.shrui %add3A_30, %shift_right_logical3A_31 : vector<1000x64xi32>
    %or3A = arith.ori %and3A_27, %shift_right_logical3A_32 : vector<1000x64xi32>
    %get3A_33 = arith.constant 0 : index
    %get3A_34 = arith.constant 0 : index
    %get3A_35 = vector.load %arg2[%get3A_33, %get3A_34] : memref<1000x256xf32, #tpu.memory_space<vmem>>, vector<1000x256xf32>
    %dot_general3A_36 = arith.constant dense<0.000000e+00> : vector<1000x256xf32>
    %dot_general3A_37 = tpu.matmul %get3A_35, %get3A_1, %dot_general3A_36 {dimension_numbers = #tpu.dot_dimension_numbers<[1], [0], [0], [1], [0, 0, 1, 1], [], []>, transpose_lhs_hint = false} : vector<1000x256xf32>, vector<256x256xf32>, vector<1000x256xf32> -> vector<1000x256xf32>
    %add3A_38 = vector.broadcast %get3A_4 : vector<1x256xf32> to vector<1000x256xf32>
    %add3A_39 = arith.addf %dot_general3A_37, %add3A_38 : vector<1000x256xf32>
    %max3A_40 = arith.constant 0.000000e+00 : f32
    %max3A_41 = vector.broadcast %max3A_40 : f32 to vector<1000x256xf32>
    %max3A_42 = arith.maximumf %add3A_39, %max3A_41 : vector<1000x256xf32>
    %dot_general3A_43 = arith.constant dense<0.000000e+00> : vector<1000x64xf32>
    %dot_general3A_44 = tpu.matmul %max3A_42, %get3A_7, %dot_general3A_43 {dimension_numbers = #tpu.dot_dimension_numbers<[1], [0], [0], [1], [0, 0, 1, 1], [], []>, transpose_lhs_hint = false} : vector<1000x256xf32>, vector<256x64xf32>, vector<1000x64xf32> -> vector<1000x64xf32>
    %dot_general3A_45 = arith.constant dense<0.000000e+00> : vector<1000x64xf32>
    %dot_general3A_46 = tpu.matmul %max3A_42, %get3A_10, %dot_general3A_45 {dimension_numbers = #tpu.dot_dimension_numbers<[1], [0], [0], [1], [0, 0, 1, 1], [], []>, transpose_lhs_hint = false} : vector<1000x256xf32>, vector<256x64xf32>, vector<1000x64xf32> -> vector<1000x64xf32>
    %bitcast_convert_type3A_47 = tpu.bitcast %dot_general3A_44 : vector<1000x64xf32> -> vector<1000x64xi32>
    %bitcast_convert_type3A_48 = tpu.bitcast %dot_general3A_46 : vector<1000x64xf32> -> vector<1000x64xi32>
    %add3A_49 = arith.constant 32768 : i32
    %add3A_50 = vector.broadcast %add3A_49 : i32 to vector<1000x64xi32>
    %add3A_51 = arith.addi %bitcast_convert_type3A_47, %add3A_50 : vector<1000x64xi32>
    %and3A_52 = arith.constant -65536 : i32
    %and3A_53 = vector.broadcast %and3A_52 : i32 to vector<1000x64xi32>
    %and3A_54 = arith.andi %add3A_51, %and3A_53 : vector<1000x64xi32>
    %add3A_55 = arith.constant 32768 : i32
    %add3A_56 = vector.broadcast %add3A_55 : i32 to vector<1000x64xi32>
    %add3A_57 = arith.addi %bitcast_convert_type3A_48, %add3A_56 : vector<1000x64xi32>
    %shift_right_logical3A_58 = arith.constant 16 : i32
    %shift_right_logical3A_59 = vector.broadcast %shift_right_logical3A_58 : i32 to vector<1000x64xi32>
    %shift_right_logical3A_60 = arith.shrui %add3A_57, %shift_right_logical3A_59 : vector<1000x64xi32>
    %or3A_61 = arith.ori %and3A_54, %shift_right_logical3A_60 : vector<1000x64xi32>
    %concatenate3A = tpu.concatenate %or3A, %or3A_61 in 1 : vector<1000x64xi32>, vector<1000x64xi32> -> vector<1000x128xi32>
    %swap3A = arith.constant 0 : index
    %swap3A_62 = arith.constant 0 : index
    %swap3A_63 = vector.load %arg7[%swap3A, %swap3A_62] : memref<1000x128xi32, #tpu.memory_space<vmem>>, vector<1000x128xi32>
    tpu.vector_store %arg7[%swap3A, %swap3A_62], %concatenate3A {strides = array<i32>} : memref<1000x128xi32, #tpu.memory_space<vmem>>, vector<1000x128xi32>,
    return
  }
  func.func @transform_0(%arg0: i32) -> (i32, i32) {
    %c0_i32 = arith.constant 0 : i32
    %c0_i32_0 = arith.constant 0 : i32
    return %arg0, %c0_i32 : i32, i32
  }
  func.func @transform_1(%arg0: i32) -> (i32, i32) {
    %add3A = arith.constant 5 : i32
    %add3A_0 = arith.addi %arg0, %add3A : i32
    %c0_i32 = arith.constant 0 : i32
    %c0_i32_1 = arith.constant 0 : i32
    return %add3A_0, %c0_i32 : i32, i32
  }
  func.func @transform_2(%arg0: i32) -> (i32, i32) {
    %c0_i32 = arith.constant 0 : i32
    %c0_i32_0 = arith.constant 0 : i32
    %c0_i32_1 = arith.constant 0 : i32
    return %c0_i32, %c0_i32_0 : i32, i32
  }
  func.func @transform_3(%arg0: i32) -> (i32, i32) {
    %c0_i32 = arith.constant 0 : i32
    %c0_i32_0 = arith.constant 0 : i32
    %c0_i32_1 = arith.constant 0 : i32
    return %c0_i32, %c0_i32_0 : i32, i32
  }
  func.func @transform_4(%arg0: i32) -> (i32, i32) {
    %c0_i32 = arith.constant 0 : i32
    %c0_i32_0 = arith.constant 0 : i32
    %c0_i32_1 = arith.constant 0 : i32
    return %c0_i32, %c0_i32_0 : i32, i32
  }
  func.func @transform_5(%arg0: i32) -> (i32, i32) {
    %c0_i32 = arith.constant 0 : i32
    %c0_i32_0 = arith.constant 0 : i32
    %c0_i32_1 = arith.constant 0 : i32
    return %c0_i32, %c0_i32_0 : i32, i32
  }
  func.func @transform_6(%arg0: i32) -> (i32, i32) {
    %c0_i32 = arith.constant 0 : i32
    %c0_i32_0 = arith.constant 0 : i32
    return %arg0, %c0_i32 : i32, i32
  }
}

module attributes {stable_mosaic.version = 14 : i64} {
  func.func @_edge_body(%arg0: i32, %arg1: memref<3200x256xf32, #tpu.memory_space<vmem>>, %arg2: memref<3200x256xf32, #tpu.memory_space<vmem>>, %arg3: memref<256x256xf32, #tpu.memory_space<vmem>>, %arg4: memref<1x256xf32, #tpu.memory_space<vmem>>, %arg5: memref<256x128xf32, #tpu.memory_space<vmem>>, %arg6: memref<3200x128xi32, #tpu.memory_space<vmem>>, %arg7: memref<1x25x128xf32, #tpu.memory_space<vmem>>, %arg8: memref<1x25x128xf32, #tpu.memory_space<vmem>>) attributes {dimension_semantics = [#tpu.dimension_semantics<arbitrary>], iteration_bounds = array<i64: 25>, scalar_prefetch = 0 : i64, scratch_operands = 0 : i64, tpu.core_type = #tpu.core_type<tc>, window_params = [{transform_indices = @transform_0, window_bounds = array<i64: 3200, 256>}, {transform_indices = @transform_1, window_bounds = array<i64: 3200, 256>}, {pipeline_mode = #tpu.pipeline_mode<synchronous>, transform_indices = @transform_2, window_bounds = array<i64: 256, 256>}, {pipeline_mode = #tpu.pipeline_mode<synchronous>, transform_indices = @transform_3, window_bounds = array<i64: 1, 256>}, {pipeline_mode = #tpu.pipeline_mode<synchronous>, transform_indices = @transform_4, window_bounds = array<i64: 256, 128>}, {transform_indices = @transform_5, window_bounds = array<i64: 3200, 128>}, {transform_indices = @transform_6, window_bounds = array<i64: 1, 25, 128>}, {transform_indices = @transform_7, window_bounds = array<i64: 1, 25, 128>}]} {
    %get3A = arith.constant 0 : index
    %get3A_0 = arith.constant 0 : index
    %get3A_1 = vector.load %arg3[%get3A, %get3A_0] : memref<256x256xf32, #tpu.memory_space<vmem>>, vector<256x256xf32>
    %get3A_2 = arith.constant 0 : index
    %get3A_3 = arith.constant 0 : index
    %get3A_4 = vector.load %arg4[%get3A_2, %get3A_3] : memref<1x256xf32, #tpu.memory_space<vmem>>, vector<1x256xf32>
    %get3A_5 = arith.constant 0 : index
    %get3A_6 = arith.constant 0 : index
    %get3A_7 = vector.load %arg5[%get3A_5, %get3A_6] : memref<256x128xf32, #tpu.memory_space<vmem>>, vector<256x128xf32>
    %get3A_8 = arith.constant 0 : index
    %get3A_9 = arith.constant 0 : index
    %get3A_10 = vector.load %arg1[%get3A_8, %get3A_9] : memref<3200x256xf32, #tpu.memory_space<vmem>>, vector<3200x256xf32>
    %dot_general3A = arith.constant dense<0.000000e+00> : vector<3200x256xf32>
    %dot_general3A_11 = tpu.matmul %get3A_10, %get3A_1, %dot_general3A {dimension_numbers = #tpu.dot_dimension_numbers<[1], [0], [0], [1], [0, 0, 1, 1], [], []>, transpose_lhs_hint = false} : vector<3200x256xf32>, vector<256x256xf32>, vector<3200x256xf32> -> vector<3200x256xf32>
    %add3A = vector.broadcast %get3A_4 : vector<1x256xf32> to vector<3200x256xf32>
    %add3A_12 = arith.addf %dot_general3A_11, %add3A : vector<3200x256xf32>
    %max3A = arith.constant 0.000000e+00 : f32
    %max3A_13 = vector.broadcast %max3A : f32 to vector<3200x256xf32>
    %max3A_14 = arith.maximumf %add3A_12, %max3A_13 : vector<3200x256xf32>
    %dot_general3A_15 = arith.constant dense<0.000000e+00> : vector<3200x128xf32>
    %dot_general3A_16 = tpu.matmul %max3A_14, %get3A_7, %dot_general3A_15 {dimension_numbers = #tpu.dot_dimension_numbers<[1], [0], [0], [1], [0, 0, 1, 1], [], []>, transpose_lhs_hint = false} : vector<3200x256xf32>, vector<256x128xf32>, vector<3200x128xf32> -> vector<3200x128xf32>
    %get3A_17 = arith.constant 0 : index
    %get3A_18 = arith.constant 0 : index
    %get3A_19 = vector.load %arg2[%get3A_17, %get3A_18] : memref<3200x256xf32, #tpu.memory_space<vmem>>, vector<3200x256xf32>
    %dot_general3A_20 = arith.constant dense<0.000000e+00> : vector<3200x256xf32>
    %dot_general3A_21 = tpu.matmul %get3A_19, %get3A_1, %dot_general3A_20 {dimension_numbers = #tpu.dot_dimension_numbers<[1], [0], [0], [1], [0, 0, 1, 1], [], []>, transpose_lhs_hint = false} : vector<3200x256xf32>, vector<256x256xf32>, vector<3200x256xf32> -> vector<3200x256xf32>
    %add3A_22 = vector.broadcast %get3A_4 : vector<1x256xf32> to vector<3200x256xf32>
    %add3A_23 = arith.addf %dot_general3A_21, %add3A_22 : vector<3200x256xf32>
    %max3A_24 = arith.constant 0.000000e+00 : f32
    %max3A_25 = vector.broadcast %max3A_24 : f32 to vector<3200x256xf32>
    %max3A_26 = arith.maximumf %add3A_23, %max3A_25 : vector<3200x256xf32>
    %dot_general3A_27 = arith.constant dense<0.000000e+00> : vector<3200x128xf32>
    %dot_general3A_28 = tpu.matmul %max3A_26, %get3A_7, %dot_general3A_27 {dimension_numbers = #tpu.dot_dimension_numbers<[1], [0], [0], [1], [0, 0, 1, 1], [], []>, transpose_lhs_hint = false} : vector<3200x256xf32>, vector<256x128xf32>, vector<3200x128xf32> -> vector<3200x128xf32>
    %iota3A = tpu.iota {dimensions = array<i32: 1>} : vector<3200x128xi32>
    %lt3A = arith.constant 64 : i32
    %lt3A_29 = vector.broadcast %lt3A : i32 to vector<3200x128xi32>
    %lt3A_30 = arith.cmpi slt, %iota3A, %lt3A_29 : vector<3200x128xi32>
    %select_n3A = arith.select %lt3A_30, %dot_general3A_16, %dot_general3A_28 : vector<3200x128xi1>, vector<3200x128xf32>
    %get3A_31 = arith.constant 0 : index
    %get3A_32 = arith.constant 0 : index
    %get3A_33 = vector.load %arg6[%get3A_31, %get3A_32] : memref<3200x128xi32, #tpu.memory_space<vmem>>, vector<3200x128xi32>
    %and3A = arith.constant -65536 : i32
    %and3A_34 = vector.broadcast %and3A : i32 to vector<3200x128xi32>
    %and3A_35 = arith.andi %get3A_33, %and3A_34 : vector<3200x128xi32>
    %bitcast_convert_type3A = tpu.bitcast %and3A_35 : vector<3200x128xi32> -> vector<3200x128xf32>
    %shift_left3A = arith.constant 16 : i32
    %shift_left3A_36 = vector.broadcast %shift_left3A : i32 to vector<3200x128xi32>
    %shift_left3A_37 = arith.shli %get3A_33, %shift_left3A_36 : vector<3200x128xi32>
    %bitcast_convert_type3A_38 = tpu.bitcast %shift_left3A_37 : vector<3200x128xi32> -> vector<3200x128xf32>
    %mul3A = arith.mulf %bitcast_convert_type3A, %bitcast_convert_type3A_38 : vector<3200x128xf32>
    %add3A_39 = arith.addf %bitcast_convert_type3A, %bitcast_convert_type3A_38 : vector<3200x128xf32>
    %mul3A_40 = arith.mulf %select_n3A, %add3A_39 : vector<3200x128xf32>
    %add3A_41 = arith.addf %mul3A, %mul3A_40 : vector<3200x128xf32>
    %broadcast_in_dim3A = arith.constant 0.000000e+00 : f32
    %broadcast_in_dim3A_42 = vector.broadcast %broadcast_in_dim3A : f32 to vector<3200x128xf32>
    %select_n3A_43 = arith.select %lt3A_30, %add3A_41, %broadcast_in_dim3A_42 : vector<3200x128xi1>, vector<3200x128xf32>
    %reduce_sum3A = arith.constant dense<0.000000e+00> : vector<3200xf32>
    %reduce_sum3A_44 = vector.multi_reduction <add>, %select_n3A_43, %reduce_sum3A [1] : vector<3200x128xf32> to vector<3200xf32>
    %select_n3A_45 = arith.select %lt3A_30, %broadcast_in_dim3A_42, %add3A_41 : vector<3200x128xi1>, vector<3200x128xf32>
    %reduce_sum3A_46 = arith.constant dense<0.000000e+00> : vector<3200xf32>
    %reduce_sum3A_47 = vector.multi_reduction <add>, %select_n3A_45, %reduce_sum3A_46 [1] : vector<3200x128xf32> to vector<3200xf32>
    %reshape3A = vector.shape_cast %reduce_sum3A_44 : vector<3200xf32> to vector<1x25x128xf32>
    %swap3A = arith.constant 0 : index
    %swap3A_48 = arith.constant 0 : index
    %swap3A_49 = arith.constant 0 : index
    %swap3A_50 = vector.load %arg7[%swap3A, %swap3A_48, %swap3A_49] : memref<1x25x128xf32, #tpu.memory_space<vmem>>, vector<1x25x128xf32>
    tpu.vector_store %arg7[%swap3A, %swap3A_48, %swap3A_49], %reshape3A {strides = array<i32>} : memref<1x25x128xf32, #tpu.memory_space<vmem>>, vector<1x25x128xf32>,
    %reshape3A_51 = vector.shape_cast %reduce_sum3A_47 : vector<3200xf32> to vector<1x25x128xf32>
    %swap3A_52 = arith.constant 0 : index
    %swap3A_53 = arith.constant 0 : index
    %swap3A_54 = arith.constant 0 : index
    %swap3A_55 = vector.load %arg8[%swap3A_52, %swap3A_53, %swap3A_54] : memref<1x25x128xf32, #tpu.memory_space<vmem>>, vector<1x25x128xf32>
    tpu.vector_store %arg8[%swap3A_52, %swap3A_53, %swap3A_54], %reshape3A_51 {strides = array<i32>} : memref<1x25x128xf32, #tpu.memory_space<vmem>>, vector<1x25x128xf32>,
    return
  }
  func.func @transform_0(%arg0: i32) -> (i32, i32) {
    %c0_i32 = arith.constant 0 : i32
    %c0_i32_0 = arith.constant 0 : i32
    return %arg0, %c0_i32 : i32, i32
  }
  func.func @transform_1(%arg0: i32) -> (i32, i32) {
    %add3A = arith.constant 25 : i32
    %add3A_0 = arith.addi %arg0, %add3A : i32
    %c0_i32 = arith.constant 0 : i32
    %c0_i32_1 = arith.constant 0 : i32
    return %add3A_0, %c0_i32 : i32, i32
  }
  func.func @transform_2(%arg0: i32) -> (i32, i32) {
    %c0_i32 = arith.constant 0 : i32
    %c0_i32_0 = arith.constant 0 : i32
    %c0_i32_1 = arith.constant 0 : i32
    return %c0_i32, %c0_i32_0 : i32, i32
  }
  func.func @transform_3(%arg0: i32) -> (i32, i32) {
    %c0_i32 = arith.constant 0 : i32
    %c0_i32_0 = arith.constant 0 : i32
    %c0_i32_1 = arith.constant 0 : i32
    return %c0_i32, %c0_i32_0 : i32, i32
  }
  func.func @transform_4(%arg0: i32) -> (i32, i32) {
    %c0_i32 = arith.constant 0 : i32
    %c0_i32_0 = arith.constant 0 : i32
    %c0_i32_1 = arith.constant 0 : i32
    return %c0_i32, %c0_i32_0 : i32, i32
  }
  func.func @transform_5(%arg0: i32) -> (i32, i32) {
    %c0_i32 = arith.constant 0 : i32
    %c0_i32_0 = arith.constant 0 : i32
    return %arg0, %c0_i32 : i32, i32
  }
  func.func @transform_6(%arg0: i32) -> (i32, i32, i32) {
    %c0_i32 = arith.constant 0 : i32
    %c0_i32_0 = arith.constant 0 : i32
    %c0_i32_1 = arith.constant 0 : i32
    return %arg0, %c0_i32, %c0_i32_0 : i32, i32, i32
  }
  func.func @transform_7(%arg0: i32) -> (i32, i32, i32) {
    %c0_i32 = arith.constant 0 : i32
    %c0_i32_0 = arith.constant 0 : i32
    %c0_i32_1 = arith.constant 0 : i32
    return %arg0, %c0_i32, %c0_i32_0 : i32, i32, i32
  }
}

</mosaic_0001>

<sc_bundles>
// kernel: kernel.5.cloned.1.call-start
scs
__scs_entry_jumppad:
0x0: {  	(pc) =	sbr.rel $0x88, $3  }
0x1: {  	(tag) =	ssettag $0x0;
	lr =	simm.s32 $0x1  }
0x2: {  	[smem:$0x3F97] =	sst lr;
	_ =	strace $0xD0000000  }
0x3: {  	_ = 	snop  }
0x4: {  	_ = 	snop  }
0x5: {  	_ = 	snop  }
0x6: {  	_ = 	snop  }
0x7: {  	_ = 	snop  }
__scs_overlays_trampoline_lowered:
0x8: {  	[smem:$0x3FA6] =	sst s0  }
0x9: {  	[smem:$0x3FA7] =	sst s1  }
0xa: {  	[smem:$0x3FA8] =	sst s2  }
0xb: {  	[smem:$0x3FA9] =	sst s3  }
0xc: {  	[smem:$0x3FAA] =	sst s4  }
0xd: {  	[smem:$0x3FAB] =	sst s5  }
0xe: {  	[smem:$0x3FAC] =	sst s6  }
0xf: {  	[smem:$0x3FAD] =	sst s7  }
0x10: {  	[smem:$0x3FAE] =	sst s8  }
0x11: {  	[smem:$0x3FAF] =	sst s9;
	s0 =	simm.s32 @!p0 $0x0  }
0x12: {  	s1 =	sld [smem:$0x3F95];
	s0 =	simm.s32 @p0 $0x1  }
0x13: {  	[smem:$0x3FB0] =	sst s0;
	s0 =	simm.s32 @!p1 $0x0  }
0x14: {  	s2 =	sld [smem:$0x3F94];
	s0 =	simm.s32 @p1 $0x1  }
0x15: {  	[smem:$0x3FB1] =	sst s0;
	s0 =	simm.s32 @!p2 $0x0  }
0x16: {  	s3 =	sld [smem:$0x3FDB];
	s0 =	simm.s32 @p2 $0x1  }
0x17: {  	s4 =	simm.s32 $0x1BF5;
	[smem:$0x3FB3] =	sst s0  }
0x18: {  	s0 =	sld [smem:$0x3F96];
	_ =	swait.ge [sflag:s4], $0x0  }
0x19: {  	s7 =	sld [smem:$0x3F97]  }
0x1a: {  	s8 =	sadd.s32 $0xFFFFE003, lr  }
0x1b: {  	s9 =	sadd.s32 $0xFFFFFEF7, lr;
	s5 =	simm.s32 $0xFFFFFFFF;
	p2 =	slt.u32 s8, $0xFFFFF086  }
0x1c: {  	p1 =	slt.u32 s9, $0xF7A;
	s5 =	simm.s32 @!p2 $0x0  }
0x1d: {  	s5 =	simm.s32 @p1 $0x1;
	p0 =	seq.s32 s7, s2  }
0x1e: {  	s7 =	smul.u32 @!p0 $0xF7A, s2;
	p2 =	seq.s32 @!p0 s5, $0x0  }
0x1f: {  	s9 =	smul.u32 $0xF7A, s1;
	s8 =	simm.s32 @!p0 $0x1BF5;
	p2 =	por !p2, p0  }
0x20: {  	[sflag:s8] =	ssyncset.s32 @!p0 $0xFFFFF086;
	s6 =	sadd.s32 @!p0 s3, s7;
	s7 =	simm.s32 @!p0 $0x108  }
0x21: {  	s3 =	sadd.s32 s3, s9;
	s6 =	sadd.s32 @!p0 $0x88, s6;
	s7 =	simm.s32 @p2 $0x1082  }
0x22: {  	[simem:s7], [sflag:s8] =	dma.local @!p0 [hbm:s6], $0xF7A  }
0x23: {  	s9 =	sor.u32 $0xD0000000, s2;
	s6 =	simm.s32 $0x108;
	_ =	swait.ge @!p0 [sflag:s8], $0x0  }
0x24: {  	s3 =	sadd.s32 $0x88, s3;
	s6 =	simm.s32 @!p1 $0x1082;
	[sflag:s4] =	ssyncset.s32 $0xFFFFF086  }
0x25: {  	[simem:s6], [sflag:s4] =	dma.local [hbm:s3], $0xF7A  }
0x26: {  	[smem:$0x3F97] =	sst s1;
	(tag) =	ssettag s2;
	_ =	strace s9  }
0x27: {  	s1 =	sld [smem:$0x3FA7]  }
0x28: {  	s2 =	sld [smem:$0x3FA8]  }
0x29: {  	s4 =	sld [smem:$0x3FAA]  }
0x2a: {  	p0 =	seq.s32 s5, $0x0;
	s5 =	sld [smem:$0x3FAB]  }
0x2b: {  	s6 =	sld [smem:$0x3FAC]  }
0x2c: {  	s7 =	sld [smem:$0x3FAD]  }
0x2d: {  	s3 =	simm.s32 $0x108;
	s8 =	sld [smem:$0x3FAE]  }
0x2e: {  	s3 =	simm.s32 @!p0 $0x1082;
	s9 =	sld [smem:$0x3FAF]  }
0x2f: {  	lr =	sadd.s32 s0, s3;
	s0 =	sld [smem:$0x3FA6]  }
0x30: {  	s3 =	sld [smem:$0x3FA9]  }
0x31: {  	[smem:$0x3FB2] =	sst s10  }
0x32: {  	s10 =	sld [smem:$0x3FB0];
	_ =	sdelay $0x3  }
0x33: {  	p0 =	seq.s32 s10, $0x1;
	s10 =	sld [smem:$0x3FB2];
	_ =	sdelay $0x3  }
0x34: {  	[smem:$0x3FB2] =	sst s10  }
0x35: {  	s10 =	sld [smem:$0x3FB1];
	_ =	sdelay $0x3  }
0x36: {  	p1 =	seq.s32 s10, $0x1;
	s10 =	sld [smem:$0x3FB2];
	_ =	sdelay $0x3  }
0x37: {  	[smem:$0x3FB2] =	sst s10  }
0x38: {  	s10 =	sld [smem:$0x3FB3]  }
0x39: {  	_ = 	snop;
	(pc) =	sbr.ind lr, $3  }
0x3a: {  	_ = 	snop  }
0x3b: {  	_ = 	snop  }
0x3c: {  	p2 =	seq.s32 s10, $0x1;
	s10 =	sld [smem:$0x3FB2]  }
0x3d: {  	_ =	shalt  }
0x3e: {  	_ =	shalt  }
0x3f: {  	_ =	shalt  }
0x40: {  	_ =	shalt  }
0x41: {  	_ =	shalt  }
0x42: {  	_ =	shalt  }
0x43: {  	_ =	shalt  }
0x44: {  	_ =	shalt  }
0x45: {  	_ =	shalt  }
0x46: {  	_ =	shalt  }
0x47: {  	_ =	shalt  }
0x48: {  	_ =	shalt  }
0x49: {  	_ =	shalt  }
0x4a: {  	_ =	shalt  }
0x4b: {  	_ =	shalt  }
0x4c: {  	_ =	shalt  }
0x4d: {  	_ =	shalt  }
0x4e: {  	_ =	shalt  }
0x4f: {  	_ =	shalt  }
0x50: {  	_ =	shalt  }
0x51: {  	_ =	shalt  }
0x52: {  	_ =	shalt  }
0x53: {  	_ =	shalt  }
0x54: {  	_ =	shalt  }
0x55: {  	_ =	shalt  }
0x56: {  	_ =	shalt  }
0x57: {  	_ =	shalt  }
0x58: {  	_ =	shalt  }
0x59: {  	_ =	shalt  }
0x5a: {  	_ =	shalt  }
0x5b: {  	_ =	shalt  }
0x5c: {  	_ =	shalt  }
0x5d: {  	_ =	shalt  }
0x5e: {  	_ =	shalt  }
0x5f: {  	_ =	shalt  }
0x60: {  	_ =	shalt  }
0x61: {  	_ =	shalt  }
0x62: {  	_ =	shalt  }
0x63: {  	_ =	shalt  }
0x64: {  	_ =	shalt  }
0x65: {  	_ =	shalt  }
0x66: {  	_ =	shalt  }
0x67: {  	_ =	shalt  }
0x68: {  	_ =	shalt  }
0x69: {  	_ =	shalt  }
0x6a: {  	_ =	shalt  }
0x6b: {  	_ =	shalt  }
0x6c: {  	_ =	shalt  }
0x6d: {  	_ =	shalt  }
0x6e: {  	_ =	shalt  }
0x6f: {  	_ =	shalt  }
0x70: {  	_ =	shalt  }
0x71: {  	_ =	shalt  }
0x72: {  	_ =	shalt  }
0x73: {  	_ =	shalt  }
0x74: {  	_ =	shalt  }
0x75: {  	_ =	shalt  }
0x76: {  	_ =	shalt  }
0x77: {  	_ =	shalt  }
0x78: {  	_ =	shalt  }
0x79: {  	_ =	shalt  }
0x7a: {  	_ =	shalt  }
0x7b: {  	_ =	shalt  }
0x7c: {  	_ =	shalt  }
0x7d: {  	_ =	shalt  }
0x7e: {  	_ =	shalt  }
0x7f: {  	_ =	shalt  }
0x80: {  	_ =	shalt  }
0x81: {  	_ =	shalt  }
0x82: {  	_ =	shalt  }
0x83: {  	_ =	shalt  }
0x84: {  	_ =	shalt  }
0x85: {  	_ =	shalt  }
0x86: {  	_ =	shalt  }
0x87: {  	_ =	shalt  }
.Lfunc_end0:
.L_simem_size_0:
called_computation_lowered:
.L_overlay_start_0:
0x88: {  	s2 =	sld [smem:$0x3FD9]  }
0x89: {  	s3 =	sld [smem:$0x3FFE];
	_ =	sdelay $0x1  }
0x8a: {  	s1 =	srdreg.scid  }
0x8b: {  	s0 =	sand.u32 $0x1, s1  }
0x8c: {  	s17 =	sshll.u32 s0, $0xA;
	s2 =	sadd.s32 s3, s2  }
0x8d: {  	s2 =	sadd.s32 s2, s17  }
0x8e: {  	[smem:$0x3FBE] =	sst s2  }
0x8f: {  	_ = 	snop  }
0x90: {  	s2 =	sld [smem:$0x3FD0];
	(tm) =	ssettm $0x1  }
0x91: {  	s18 =	sld [smem:$0x3FFB];
	_ =	sdelay $0x3  }
0x92: {  	_ =	strace s18  }
0x93: {  	s3 =	sld [smem:$0x3FFC];
	_ =	sdelay $0x3  }
0x94: {  	_ =	strace s3  }
0x95: {  	s3 =	sld [smem:$0x3FFD];
	_ =	sdelay $0x3  }
0x96: {  	_ =	strace s3  }
0x97: {  	_ =	strace $0x8FFFFFFF  }
0x98: {  	s19 =	sld [smem:$0x3FDB];
	_ =	sdelay $0x1  }
0x99: {  	s4 =	simm.s32 $_scs_section_size  }
0x9a: {  	s5 =	simm.s32 $_size__tile_overlayer_lowered;
	s6 =	simm.s32 $_tile_overlayer_lowered  }
0x9b: {  	s22 =	simm.s32 $0x1BFF;
	s21 =	sshll.u32 s6, $0x1;
	s3 =	sadd.s32 s4, s19  }
0x9c: {  	s7 =	simm.s32 $0x0;
	s20 =	sshll.u32 s5, $0x1;
	s5 =	sadd.s32 s21, s3  }
0x9d: {  	[timem:s7], [sflag:s22] =	dma.local [hbm:s5], s20  }
0x9e: {  	_ =	swait.ge [sflag:s22], s20  }
0x9f: {  	s4 =	ssub.s32 $0x0, s20;
	[sflag:s22] =	ssyncset.done $0x0  }
0xa0: {  	[sflag:s22] =	ssyncadd.s32 s4;
	_ =	sdelay $0x1  }
0xa1: {  	s23 =	simm.s32 $0x1B8B  }
0xa2: {  	_ =	swait.ge [sflag:s23], $0x1  }
0xa3: {  	[sflag:s23] =	ssyncset.done $0x0  }
0xa4: {  	s25 =	simm.s32 $0x1B8E;
	s24 =	sld [smem:$0x3FFE];
	[sflag:s23] =	ssyncadd.s32 $0xFFFFFFFF  }
0xa5: {  	s26 =	simm.s32 $execute0_lowered;
	[smem:$0x3FD2] =	sst s25  }
0xa6: {  	s5 =	sshll.u32 s26, $0x1;
	_ =	strace $0x80000046;
	[dreg:$0x1] =	wrdreg $0xFFFFFFFF  }
0xa7: {  	s28 =	simm.s32 $_size_execute0_lowered;
	s3 =	sadd.s32 s3, s5;
	[dreg:$0x0] =	wrdreg $0x0  }
0xa8: {  	s5 =	sshll.u32 s28, $0x1;
	[dreg:$0x2] =	wrdreg s3  }
0xa9: {  	[dreg:$0x3] =	wrdreg s5  }
0xaa: {  	[dreg:$0x4] =	wrdreg $0xC0  }
0xab: {  	_ =	task [dreg:s7], $0x5FFFF  }
0xac: {  	[dreg:$0x1] =	wrdreg $0xFFFFFFFF  }
0xad: {  	[dreg:$0x0] =	wrdreg $0x60  }
0xae: {  	[dreg:$0x2] =	wrdreg s24  }
0xaf: {  	[dreg:$0x3] =	wrdreg s2  }
0xb0: {  	[dreg:$0x4] =	wrdreg $0x0  }
0xb1: {  	[dreg:$0x5] =	wrdreg $0x9  }
0xb2: {  	_ =	task.clear_ibuf [dreg:s7], $0x6FFFF;
	_ =	strace $0x90000046  }
0xb3: {  	s29 =	simm.s32 $0x9;
	_ =	strace $0x80000048  }
0xb4: {  	_ =	swait.ge [sflag:s29], $0x1  }
0xb5: {  	[sflag:s29] =	ssyncadd.s32 $0xFFFFFFFF  }
0xb6: {  	_ =	strace $0x90000048  }
0xb7: {  	_ =	sfence  }
0xb8: {  	s30 =	sld [smem:$0x0];
	_ =	sdelay $0x2  }
0xb9: {  	s31 =	sshll.u32 s1, $0xD;
	s1 =	sshrl.u32 s1, $0x2  }
0xba: {  	s3 =	sand.u32 $0x4000, s31;
	s1 =	sadd.s32 s1, s30  }
0xbb: {  	s0 =	sor.u32 s3, s0;
	s1 =	sshll.u32 s1, $0x11  }
0xbc: {  	s0 =	sor.u32 s1, s0  }
0xbd: {  	s0 =	sadd.s32 $0x8F2B, s0  }
0xbe: {  	[sflag:s0] =	ssyncadd.remote.s32 $0x1  }
0xbf: {  	_ =	sfence.sel $0xFFFF  }
0xc0: {  	[dreg:$0x0] =	wrdreg $0xFFFFFFFF;
	(pc) =	sbr.abs _section_cstart, $3  }
0xc1: {  	[dreg:$0x1] =	wrdreg $0xFFFFFFFF  }
0xc2: {  	_ =	task.clear_ibuf [dreg:s7], $0x2FFFF;
	_ =	strace $0x9FFFFFFF  }
0xc3: {  	(tm) =	ssettm $0x7FFFFFFF  }
tec
execute0_lowered:
.L_overlay_start_1:
0x0: {  	(tag) =	ssettag $0x1  }
0x1: {  	s0 =	rddreg [dreg:$0x0]  }
0x2: {  	s12 =	stileid.u32;
	s3 =	rddreg [dreg:$0x1]  }
0x3: {  	s1 =	srdreg.scid;
	s2 =	rddreg [dreg:$0x2]  }
0x4: {  	s18 =	simm.s32 $0x0;
	s15 =	simm.s32 $0x6;
	s28 =	simm.s32 $0x3  }
0x5: {  	s29 =	simm.s32 $0x4;
	s17 =	simm.s32 $0x5;
	s30 =	simm.s32 $0x0  }
0x6: {  	s1 =	sand.u32 $0x1, s1;
	s4 =	sshll.u32 s12, $0x1;
	s7 =	smul.u32 $0x9C40, s12  }
0x7: {  	[smem:$0x7FF] =	sst s18;
	s6 =	sshll.u32 s12, $0x3;
	s24 =	sshll.u32 s12, $0x6  }
0x8: {  	s18 =	simm.s32 $0x100;
	s5 =	sor.u32 s1, s4;
	_ =	strace $0x80000047  }
0x9: {  	s4 =	sadd.s32 $0x19400, s0;
	s20 =	ssub.s32 $0x2, s1;
	s6 =	sand.u32 $0x40, s6  }
0xa: {  	s8 =	smul.u32 $0x271, s5;
	s19 =	sshrl.u32 s7, $0x3;
	s21 =	sand.u32 $0xF, s5  }
0xb: {  	s22 =	sshrl.u32 s20, $0x1;
	s23 =	sadd.s32 s7, s2;
	s7 =	sor.u32 $0x1C06, s24  }
0xc: {  	s24 =	simm.s32 $0x40;
	s9 =	sadd.s32 s19, s0;
	s11 =	smul.u32 $0x9C400, s21  }
0xd: {  	s5 =	smul.u32 $0x1388, s21;
	[dreg:$0x5] =	wrdreg s7;
	s14 =	sshrl.u32 s23, $0x3  }
0xe: {  	s19 =	simm.s32 $0xC350;
	s21 =	simm.s32 $0x14350;
	s23 =	simm.s32 $0x1  }
0xf: {  	s10 =	sadd.s32 s8, s0;
	s0 =	ssub.s32 s20, s22;
	s9 =	sadd.s32 $0x5A00, s9  }
0x10: {  	s20 =	simm.s32 $0x10350;
	s22 =	simm.s32 $0x18350;
	s11 =	sor.u32 s6, s11  }
0x11: {  	[dreg:$0x4] =	wrdreg s9;
	s9 =	sadd.s32 $0xA00, s10;
	s10 =	sadd.s32 s3, s8  }
0x12: {  	s13 =	smax.u32 s0, $0x1;
	s25 =	sadd.s32 $0x90000, s11;
	s26 =	sadd.s32 $0x98000, s11  }
0x13: {  	s7 =	sshrl.u32 s25, $0x3;
	s31 =	sshrl.u32 s26, $0x3;
	s25 =	simm.s32 $0x80  }
0x14: {  	s26 =	simm.s32 $0x2;
	s11 =	sadd.s32 s4, s7;
	s12 =	sadd.s32 s4, s31  }
.LBB2_1:
0x15: {  	s0 =	rddreg [dreg:$0x4]  }
0x16: {  	s1 =	rddreg [dreg:$0x5]  }
0x17: {  	[spmem:s14], [sflag:s1] =	dma.local [hbm:s0], $0x1388  }
0x18: {  	_ =	swait.ge [sflag:s15], $0x1388  }
0x19: {  	[sflag:s15] =	ssyncset.done $0x0  }
0x1a: {  	s7 =	simm.s32 $0x0;
	s8 =	simm.s32 $0x9C40;
	[sflag:s15] =	ssyncadd.s32 $0xFFFFEC78  }
0x1b: {  	[tilespmem:s8], [sflag:$0x6] =	stream.linear.gather [hbm4b:s9+s7], $0x1388, $0x38;
	[tilespmem:$0x1C350] =	vst v63  }
0x1c: {  	_ =	swait.ge [sflag:s15], $0x1388  }
0x1d: {  	[sflag:s15] =	ssyncset.done $0x0  }
0x1e: {  	s16 =	simm.s32 $0xAFC8;
	[sflag:s15] =	ssyncadd.s32 $0xFFFFEC78  }
0x1f: {  	[tilespmem:s16], [sflag:$0x6] =	stream.linear.gather [hbm4b:s10+s7], $0x1388, $0x38;
	[tilespmem:$0x1C350] =	vst v63  }
0x20: {  	_ =	swait.ge [sflag:s15], $0x1388  }
0x21: {  	[sflag:s15] =	ssyncset.done $0x0  }
0x22: {  	[sflag:s15] =	ssyncadd.s32 $0xFFFFEC78  }
0x23: {  	s31 =	simm.s32 $0x0;
	[bflag:$0x0] =	sbarrier.arrive $0xFFFF  }
.LBB2_2:
0x24: {  	s16 =	sshll.u32 s31, $0x9  }
0x25: {  	s0 =	sadd.s32 $0x9C40, s16  }
0x26: {  	[tilespmem:s19], [sflag:$0x1] =	stream.indirect.gather [spmem:s2], $0x40, s0, s18, $0xb8;
	[tilespmem:$0x1C350] =	vst v63  }
0x27: {  	s3 =	sadd.s32 $0xAFC8, s16  }
0x28: {  	[tilespmem:s20], [sflag:$0x1] =	stream.indirect.gather [spmem:s2], $0x40, s3, s18, $0xb8;
	[tilespmem:$0x1C350] =	vst v63  }
0x29: {  	s7 =	sadd.s32 $0x9D40, s16  }
0x2a: {  	[tilespmem:s21], [sflag:$0x2] =	stream.indirect.gather [spmem:s2], $0x40, s7, s18, $0xb8;
	[tilespmem:$0x1C350] =	vst v63  }
0x2b: {  	s8 =	sadd.s32 $0xB0C8, s16  }
0x2c: {  	[tilespmem:s22], [sflag:$0x2] =	stream.indirect.gather [spmem:s2], $0x40, s8, s18, $0xb8;
	[tilespmem:$0x1C350] =	vst v63  }
0x2d: {  	_ =	swait.ge [sflag:s23], $0x4000  }
0x2e: {  	[sflag:s23] =	ssyncset.done $0x0  }
0x2f: {  	[sflag:s23] =	ssyncadd.s32 $0xFFFFC000  }
0x30: {  	_ =	swait.ge [sflag:s23], $0x4000  }
0x31: {  	[sflag:s23] =	ssyncset.done $0x0  }
0x32: {  	s3 =	simm.s32 $0xC450;
	[sflag:s23] =	ssyncadd.s32 $0xFFFFC000  }
0x33: {  	s1 =	simm.s32 $0x10450;
	v0 =	vld [tilespmem:s3+$0xC0]  }
0x34: {  	v1 =	vld [tilespmem:s1+$0xC0]  }
0x35: {  	v2 =	vld [tilespmem:s1+$0xFFFFFF00]  }
0x36: {  	v3 =	vld [tilespmem:s3+$0xFFFFFF40]  }
0x37: {  	v4 =	vld [tilespmem:s1+$0xFFFFFF40]  }
0x38: {  	v6 =	vld [tilespmem:s1+$0xFFFFFF80]  }
0x39: {  	v7 =	vld [tilespmem:s3+$0xFFFFFFC0]  }
0x3a: {  	v8 =	vld [tilespmem:s1+$0xFFFFFFC0]  }
0x3b: {  	v9 =	vld [tilespmem:s3+$0x0]  }
0x3c: {  	v10 =	vld [tilespmem:s1+$0x0]  }
0x3d: {  	v11 =	vld [tilespmem:s3+$0x40];
	v0 =	vand.u32 $0xFFFF0000, v0;
	v1 =	vand.u32 $0xFFFF, v1  }
0x3e: {  	v0 =	vor.u32 v0, v1;
	v1 =	vld [tilespmem:s3+$0xFFFFFF80]  }
0x3f: {  	[tilespmem:s3+$0xC0] =	vst v0;
	v0 =	vld [tilespmem:s3+$0xD0]  }
0x40: {  	v5 =	vld [tilespmem:s1+$0xD0]  }
0x41: {  	v13 =	vld [tilespmem:s3+$0x80]  }
0x42: {  	v58 =	vld [tilespmem:s3+$0xFFFFFFD0];
	v3 =	vand.u32 $0xFFFF0000, v3;
	v4 =	vand.u32 $0xFFFF, v4  }
0x43: {  	v59 =	vld [tilespmem:s3+$0x10];
	v3 =	vor.u32 v3, v4;
	v4 =	vand.u32 $0xFFFF, v6  }
0x44: {  	v61 =	vld [tilespmem:s3+$0x20];
	[tilespmem:s3+$0xFFFFFF40] =	vst v3;
	v3 =	vand.u32 $0xFFFF0000, v7;
	v1 =	vand.u32 $0xFFFF0000, v1;
	v0 =	vand.u32 $0xFFFF0000, v0  }
0x45: {  	v1 =	vor.u32 v1, v4;
	v4 =	vand.u32 $0xFFFF, v8;
	v8 =	vld [tilespmem:s1+$0xFFFFFF50];
	v5 =	vand.u32 $0xFFFF, v5  }
0x46: {  	[tilespmem:s3+$0xFFFFFF80] =	vst v1;
	v1 =	vor.u32 v3, v4;
	v4 =	vand.u32 $0xFFFF, v10;
	v10 =	vld [tilespmem:s3+$0xFFFFFF50];
	v0 =	vor.u32 v0, v5  }
0x47: {  	[tilespmem:s3+$0xD0] =	vst v0;
	v0 =	vld [tilespmem:s3+$0xE0]  }
0x48: {  	v12 =	vld [tilespmem:s1+$0xE0]  }
0x49: {  	v5 =	vld [tilespmem:s1+$0x40]  }
0x4a: {  	v7 =	vld [tilespmem:s3+$0xFFFFFF00]  }
0x4b: {  	v15 =	vld [tilespmem:s3+$0xFFFFFF70];
	v3 =	vand.u32 $0xFFFF0000, v9  }
0x4c: {  	v6 =	vld [tilespmem:s1+$0x80];
	[tilespmem:s3+$0xFFFFFFC0] =	vst v1;
	v1 =	vor.u32 v3, v4;
	v8 =	vand.u32 $0xFFFF, v8  }
0x4d: {  	v3 =	vld [tilespmem:s1+$0xFFFFFF90];
	v10 =	vand.u32 $0xFFFF0000, v10;
	v0 =	vand.u32 $0xFFFF0000, v0;
	v4 =	vand.u32 $0xFFFF, v12  }
0x4e: {  	[tilespmem:s3+$0x0] =	vst v1;
	v1 =	vld [tilespmem:s1+$0xFFFFFFD0];
	v5 =	vand.u32 $0xFFFF, v5;
	v0 =	vor.u32 v0, v4;
	v4 =	vand.u32 $0xFFFF0000, v11  }
0x4f: {  	v9 =	vld [tilespmem:s1+$0x10];
	[tilespmem:s3+$0xE0] =	vst v0;
	v0 =	vand.u32 $0xFFFF, v2;
	v2 =	vor.u32 v4, v5;
	v4 =	vand.u32 $0xFFFF0000, v7  }
0x50: {  	v8 =	vor.u32 v10, v8;
	v10 =	vld [tilespmem:s3+$0xFFFFFF20];
	v0 =	vor.u32 v4, v0  }
0x51: {  	v6 =	vand.u32 $0xFFFF, v6;
	v11 =	vld [tilespmem:s3+$0xFFFFFF90];
	v4 =	vand.u32 $0xFFFF0000, v13;
	[tilespmem:s3+$0xFFFFFF00] =	vst v0  }
0x52: {  	[tilespmem:s3+$0xFFFFFF50] =	vst v8;
	v4 =	vor.u32 v4, v6;
	v6 =	vld [tilespmem:s1+$0xFFFFFF10]  }
0x53: {  	[tilespmem:s3+$0x80] =	vst v4;
	v4 =	vld [tilespmem:s3+$0xFFFFFF10]  }
0x54: {  	v60 =	vld [tilespmem:s1+$0xFFFFFF60]  }
0x55: {  	v5 =	vld [tilespmem:s3+$0xF0]  }
0x56: {  	[tilespmem:s3+$0x40] =	vst v2;
	v2 =	vld [tilespmem:s1+$0xF0]  }
0x57: {  	v3 =	vand.u32 $0xFFFF, v3;
	v0 =	vld [tilespmem:s1+$0x50];
	v11 =	vand.u32 $0xFFFF0000, v11  }
0x58: {  	v7 =	vld [tilespmem:s1+$0x90];
	v3 =	vor.u32 v11, v3;
	v6 =	vand.u32 $0xFFFF, v6;
	v4 =	vand.u32 $0xFFFF0000, v4  }
0x59: {  	v1 =	vand.u32 $0xFFFF, v1;
	v11 =	vand.u32 $0xFFFF0000, v58;
	[tilespmem:s3+$0xFFFFFF90] =	vst v3;
	v4 =	vor.u32 v4, v6;
	v6 =	vld [tilespmem:s3+$0x50]  }
0x5a: {  	v1 =	vor.u32 v11, v1;
	v11 =	vld [tilespmem:s1+$0xFFFFFFA0]  }
0x5b: {  	v9 =	vand.u32 $0xFFFF, v9;
	v3 =	vand.u32 $0xFFFF0000, v59;
	[tilespmem:s3+$0xFFFFFF10] =	vst v4;
	v4 =	vld [tilespmem:s3+$0x90]  }
0x5c: {  	[tilespmem:s3+$0xFFFFFFD0] =	vst v1;
	v1 =	vor.u32 v3, v9;
	v9 =	vld [tilespmem:s3+$0xFFFFFFE0]  }
0x5d: {  	v8 =	vld [tilespmem:s1+$0xFFFFFF20]  }
0x5e: {  	v0 =	vand.u32 $0xFFFF, v0;
	[tilespmem:s3+$0x10] =	vst v1;
	v3 =	vand.u32 $0xFFFF0000, v6;
	v6 =	vand.u32 $0xFFFF, v7;
	v7 =	vld [tilespmem:s1+$0xFFFFFFE0]  }
0x5f: {  	v0 =	vor.u32 v3, v0;
	v3 =	vld [tilespmem:s1+$0x20]  }
0x60: {  	v1 =	vand.u32 $0xFFFF0000, v4;
	v4 =	vld [tilespmem:s3+$0xFFFFFF60]  }
0x61: {  	[tilespmem:s3+$0x50] =	vst v0;
	v0 =	vor.u32 v1, v6;
	v6 =	vld [tilespmem:s3+$0xFFFFFFA0]  }
0x62: {  	v10 =	vand.u32 $0xFFFF0000, v10;
	v8 =	vand.u32 $0xFFFF, v8;
	v1 =	vld [tilespmem:s1+$0x60]  }
0x63: {  	[tilespmem:s3+$0x90] =	vst v0;
	v8 =	vor.u32 v10, v8;
	v10 =	vld [tilespmem:s3+$0x60]  }
0x64: {  	v0 =	vld [tilespmem:s1+$0xA0]  }
0x65: {  	v12 =	vand.u32 $0xFFFF, v60;
	[tilespmem:s3+$0xFFFFFF20] =	vst v8;
	v8 =	vld [tilespmem:s3+$0xA0];
	v4 =	vand.u32 $0xFFFF0000, v4  }
0x66: {  	v11 =	vand.u32 $0xFFFF, v11;
	v62 =	vld [tilespmem:s1+$0xFFFFFF30];
	v4 =	vor.u32 v4, v12;
	v6 =	vand.u32 $0xFFFF0000, v6  }
0x67: {  	v9 =	vand.u32 $0xFFFF0000, v9;
	[tilespmem:s3+$0xFFFFFF60] =	vst v4;
	v4 =	vand.u32 $0xFFFF, v7;
	v6 =	vor.u32 v6, v11;
	v7 =	vld [tilespmem:s3+$0xFFFFFF30]  }
0x68: {  	v3 =	vand.u32 $0xFFFF, v3;
	[tilespmem:s3+$0xFFFFFFA0] =	vst v6;
	v6 =	vld [tilespmem:s1+$0xFFFFFF70];
	v4 =	vor.u32 v9, v4;
	v9 =	vand.u32 $0xFFFF0000, v61  }
0x69: {  	v1 =	vand.u32 $0xFFFF, v1;
	v11 =	vld [tilespmem:s1+$0xFFFFFFB0];
	[tilespmem:s3+$0xFFFFFFE0] =	vst v4;
	v3 =	vor.u32 v9, v3;
	v4 =	vand.u32 $0xFFFF0000, v10  }
0x6a: {  	v0 =	vand.u32 $0xFFFF, v0;
	v63 =	vld [tilespmem:s1+$0xFFFFFFF0];
	[tilespmem:s3+$0x20] =	vst v3;
	v1 =	vor.u32 v4, v1;
	v3 =	vand.u32 $0xFFFF0000, v8  }
0x6b: {  	v14 =	vld [tilespmem:s1+$0x30];
	[tilespmem:s3+$0x60] =	vst v1;
	v0 =	vor.u32 v3, v0  }
0x6c: {  	v1 =	vld [tilespmem:s1+$0x70];
	[tilespmem:s3+$0xA0] =	vst v0  }
0x6d: {  	v0 =	vld [tilespmem:s1+$0xB0]  }
0x6e: {  	v2 =	vand.u32 $0xFFFF, v2;
	v8 =	vld [tilespmem:s3+$0xFFFFFFB0]  }
0x6f: {  	v4 =	vand.u32 $0xFFFF, v62;
	v3 =	vand.u32 $0xFFFF0000, v5;
	v5 =	vand.u32 $0xFFFF0000, v7;
	v7 =	vld [tilespmem:s3+$0xFFFFFFF0]  }
0x70: {  	v2 =	vor.u32 v3, v2;
	v12 =	vor.u32 v5, v4;
	v10 =	vand.u32 $0xFFFF, v6;
	v5 =	vld [tilespmem:s3+$0x30]  }
0x71: {  	v3 =	vld [tilespmem:s3+$0x70];
	[tilespmem:s3+$0xF0] =	vst v2;
	v9 =	vand.u32 $0xFFFF, v11;
	v11 =	vand.u32 $0xFFFF0000, v15;
	v4 =	vand.u32 $0xFFFF, v63  }
0x72: {  	s0 =	sor.u32 $0x100, s16;
	s7 =	simm.s32 $0x0;
	s8 =	simm.s32 $0xC650;
	v6 =	vld [tilespmem:s3+$0xB0];
	[tilespmem:s3+$0xFFFFFF30] =	vst v12;
	v2 =	vand.u32 $0xFFFF, v14;
	v1 =	vand.u32 $0xFFFF, v1;
	v0 =	vand.u32 $0xFFFF, v0  }
.LBB2_3:
0x73: {  	v12 =	vld [tilespmem:s8+$0xC0];
	v10 =	vor.u32 v11, v10;
	v8 =	vand.u32 $0xFFFF0000, v8;
	s1 =	sadd.s32 $0x200, s1  }
0x74: {  	s7 =	sadd.s32 $0x8, s7;
	v11 =	vld [tilespmem:s1+$0xC0];
	[tilespmem:s3+$0xFFFFFF70] =	vst v10;
	v8 =	vor.u32 v8, v9;
	v7 =	vand.u32 $0xFFFF0000, v7  }
0x75: {  	p0 =	slt.u32 s7, $0xF8;
	v9 =	vld [tilespmem:s1+$0xFFFFFF00];
	[tilespmem:s3+$0xFFFFFFB0] =	vst v8;
	v4 =	vor.u32 v7, v4;
	v5 =	vand.u32 $0xFFFF0000, v5  }
0x76: {  	v7 =	vld [tilespmem:s8+$0xFFFFFF40];
	[tilespmem:s3+$0xFFFFFFF0] =	vst v4;
	v2 =	vor.u32 v5, v2;
	v3 =	vand.u32 $0xFFFF0000, v3  }
0x77: {  	v4 =	vld [tilespmem:s1+$0xFFFFFF40];
	[tilespmem:s3+$0x30] =	vst v2;
	v1 =	vor.u32 v3, v1;
	v2 =	vand.u32 $0xFFFF0000, v6  }
0x78: {  	v3 =	vld [tilespmem:s8+$0xFFFFFF80];
	[tilespmem:s3+$0x70] =	vst v1;
	v0 =	vor.u32 v2, v0  }
0x79: {  	v2 =	vand.u32 $0xFFFF0000, v12;
	v1 =	vld [tilespmem:s1+$0xFFFFFF80];
	v5 =	vand.u32 $0xFFFF, v11;
	[tilespmem:s3+$0xB0] =	vst v0;
	s3 =	smov.u32 s8  }
0x7a: {  	v0 =	vand.u32 $0xFFFF, v9;
	v6 =	vld [tilespmem:s8+$0xFFFFFFC0];
	v2 =	vor.u32 v2, v5  }
0x7b: {  	v5 =	vand.u32 $0xFFFF0000, v7;
	[tilespmem:s8+$0xC0] =	vst v2;
	v2 =	vld [tilespmem:s8+$0xD0]  }
0x7c: {  	v4 =	vand.u32 $0xFFFF, v4;
	v7 =	vld [tilespmem:s1+$0xD0]  }
0x7d: {  	v4 =	vor.u32 v5, v4;
	v3 =	vand.u32 $0xFFFF0000, v3;
	v5 =	vld [tilespmem:s1+$0xFFFFFFC0]  }
0x7e: {  	[tilespmem:s8+$0xFFFFFF40] =	vst v4;
	v1 =	vand.u32 $0xFFFF, v1;
	v4 =	vld [tilespmem:s8+$0x0]  }
0x7f: {  	v1 =	vor.u32 v3, v1;
	v3 =	vand.u32 $0xFFFF0000, v6;
	v6 =	vld [tilespmem:s1+$0x0]  }
0x80: {  	[tilespmem:s8+$0xFFFFFF80] =	vst v1;
	v1 =	vld [tilespmem:s8+$0x40]  }
0x81: {  	v2 =	vand.u32 $0xFFFF0000, v2;
	v8 =	vld [tilespmem:s1+$0x40];
	v7 =	vand.u32 $0xFFFF, v7  }
0x82: {  	v5 =	vand.u32 $0xFFFF, v5;
	v9 =	vld [tilespmem:s8+$0x80];
	v2 =	vor.u32 v2, v7  }
0x83: {  	v3 =	vor.u32 v3, v5;
	v4 =	vand.u32 $0xFFFF0000, v4;
	[tilespmem:s8+$0xD0] =	vst v2;
	v2 =	vld [tilespmem:s8+$0xE0]  }
0x84: {  	[tilespmem:s8+$0xFFFFFFC0] =	vst v3;
	v3 =	vand.u32 $0xFFFF, v6;
	v5 =	vld [tilespmem:s1+$0xE0]  }
0x85: {  	v3 =	vor.u32 v4, v3;
	v1 =	vand.u32 $0xFFFF0000, v1;
	v4 =	vld [tilespmem:s1+$0x80]  }
0x86: {  	v6 =	vld [tilespmem:s8+$0xFFFFFF00];
	[tilespmem:s8+$0x0] =	vst v3;
	v3 =	vand.u32 $0xFFFF, v8  }
0x87: {  	v7 =	vld [tilespmem:s1+$0xFFFFFF50];
	v1 =	vor.u32 v1, v3;
	v3 =	vand.u32 $0xFFFF0000, v9  }
0x88: {  	v8 =	vld [tilespmem:s1+$0xFFFFFF90];
	[tilespmem:s8+$0x40] =	vst v1  }
0x89: {  	v2 =	vand.u32 $0xFFFF0000, v2;
	v1 =	vld [tilespmem:s1+$0xFFFFFFD0];
	v5 =	vand.u32 $0xFFFF, v5  }
0x8a: {  	v9 =	vld [tilespmem:s1+$0x10];
	v4 =	vand.u32 $0xFFFF, v4;
	v2 =	vor.u32 v2, v5  }
0x8b: {  	v5 =	vand.u32 $0xFFFF0000, v6;
	v3 =	vor.u32 v3, v4;
	[tilespmem:s8+$0xE0] =	vst v2;
	v2 =	vld [tilespmem:s8+$0xF0]  }
0x8c: {  	v0 =	vor.u32 v5, v0;
	v4 =	vand.u32 $0xFFFF, v7;
	[tilespmem:s8+$0x80] =	vst v3;
	v3 =	vld [tilespmem:s1+$0xF0]  }
0x8d: {  	[tilespmem:s8+$0xFFFFFF00] =	vst v0;
	v0 =	vand.u32 $0xFFFF, v8;
	v5 =	vld [tilespmem:s1+$0x50]  }
0x8e: {  	v6 =	vld [tilespmem:s1+$0xFFFFFF10];
	v1 =	vand.u32 $0xFFFF, v1  }
0x8f: {  	v7 =	vand.u32 $0xFFFF, v9;
	v8 =	vld [tilespmem:s1+$0x90]  }
0x90: {  	v9 =	vld [tilespmem:s8+$0xFFFFFF10]  }
0x91: {  	v2 =	vand.u32 $0xFFFF0000, v2;
	v10 =	vld [tilespmem:s8+$0xFFFFFF50];
	v3 =	vand.u32 $0xFFFF, v3  }
0x92: {  	v11 =	vld [tilespmem:s8+$0xFFFFFF90];
	v5 =	vand.u32 $0xFFFF, v5;
	v2 =	vor.u32 v2, v3  }
0x93: {  	v3 =	vand.u32 $0xFFFF, v6;
	v6 =	vld [tilespmem:s8+$0xFFFFFFD0];
	[tilespmem:s8+$0xF0] =	vst v2  }
0x94: {  	v2 =	vld [tilespmem:s8+$0x10];
	v8 =	vand.u32 $0xFFFF, v8  }
0x95: {  	v9 =	vand.u32 $0xFFFF0000, v9;
	v12 =	vld [tilespmem:s8+$0x50]  }
0x96: {  	v3 =	vor.u32 v9, v3;
	v9 =	vand.u32 $0xFFFF0000, v10;
	v10 =	vld [tilespmem:s8+$0x90]  }
0x97: {  	[tilespmem:s8+$0xFFFFFF10] =	vst v3;
	v3 =	vld [tilespmem:s8+$0xFFFFFF20];
	v4 =	vor.u32 v9, v4;
	v9 =	vand.u32 $0xFFFF0000, v11  }
0x98: {  	v11 =	vld [tilespmem:s1+$0xFFFFFF20];
	[tilespmem:s8+$0xFFFFFF50] =	vst v4;
	v0 =	vor.u32 v9, v0;
	v4 =	vand.u32 $0xFFFF0000, v6  }
0x99: {  	v6 =	vld [tilespmem:s1+$0xFFFFFF60];
	[tilespmem:s8+$0xFFFFFF90] =	vst v0;
	v0 =	vor.u32 v4, v1;
	v1 =	vand.u32 $0xFFFF0000, v2  }
0x9a: {  	v2 =	vld [tilespmem:s1+$0xFFFFFFA0];
	[tilespmem:s8+$0xFFFFFFD0] =	vst v0;
	v0 =	vor.u32 v1, v7;
	v1 =	vand.u32 $0xFFFF0000, v12  }
0x9b: {  	v4 =	vld [tilespmem:s1+$0xFFFFFFE0];
	[tilespmem:s8+$0x10] =	vst v0;
	v0 =	vor.u32 v1, v5;
	v1 =	vand.u32 $0xFFFF0000, v10  }
0x9c: {  	v3 =	vand.u32 $0xFFFF0000, v3;
	v5 =	vld [tilespmem:s1+$0x20];
	[tilespmem:s8+$0x50] =	vst v0;
	v0 =	vor.u32 v1, v8  }
0x9d: {  	v1 =	vand.u32 $0xFFFF, v11;
	v7 =	vld [tilespmem:s1+$0x60];
	[tilespmem:s8+$0x90] =	vst v0  }
0x9e: {  	v0 =	vor.u32 v3, v1;
	v1 =	vand.u32 $0xFFFF, v6;
	v3 =	vld [tilespmem:s1+$0xA0]  }
0x9f: {  	[tilespmem:s8+$0xFFFFFF20] =	vst v0;
	v0 =	vld [tilespmem:s8+$0xFFFFFF60];
	v2 =	vand.u32 $0xFFFF, v2  }
0xa0: {  	v6 =	vld [tilespmem:s8+$0xFFFFFFA0];
	v4 =	vand.u32 $0xFFFF, v4  }
0xa1: {  	v8 =	vld [tilespmem:s8+$0xFFFFFFE0];
	v5 =	vand.u32 $0xFFFF, v5  }
0xa2: {  	v9 =	vld [tilespmem:s8+$0x20];
	v7 =	vand.u32 $0xFFFF, v7  }
0xa3: {  	v10 =	vld [tilespmem:s8+$0x60];
	v3 =	vand.u32 $0xFFFF, v3  }
0xa4: {  	v0 =	vand.u32 $0xFFFF0000, v0;
	v11 =	vld [tilespmem:s8+$0xA0]  }
0xa5: {  	v12 =	vld [tilespmem:s1+$0xFFFFFF30];
	v0 =	vor.u32 v0, v1;
	v1 =	vand.u32 $0xFFFF0000, v6  }
0xa6: {  	v6 =	vld [tilespmem:s8+$0xFFFFFF30];
	[tilespmem:s8+$0xFFFFFF60] =	vst v0;
	v0 =	vor.u32 v1, v2;
	v1 =	vand.u32 $0xFFFF0000, v8  }
0xa7: {  	v2 =	vld [tilespmem:s1+$0xFFFFFF70];
	[tilespmem:s8+$0xFFFFFFA0] =	vst v0;
	v0 =	vor.u32 v1, v4;
	v1 =	vand.u32 $0xFFFF0000, v9  }
0xa8: {  	v4 =	vld [tilespmem:s1+$0xFFFFFFB0];
	[tilespmem:s8+$0xFFFFFFE0] =	vst v0;
	v0 =	vor.u32 v1, v5;
	v1 =	vand.u32 $0xFFFF0000, v10  }
0xa9: {  	v5 =	vld [tilespmem:s1+$0xFFFFFFF0];
	[tilespmem:s8+$0x20] =	vst v0;
	v0 =	vor.u32 v1, v7;
	v1 =	vand.u32 $0xFFFF0000, v11  }
0xaa: {  	v7 =	vand.u32 $0xFFFF, v12;
	v11 =	vld [tilespmem:s1+$0x30];
	[tilespmem:s8+$0x60] =	vst v0;
	v0 =	vor.u32 v1, v3  }
0xab: {  	v1 =	vand.u32 $0xFFFF0000, v6;
	v3 =	vld [tilespmem:s1+$0x70];
	[tilespmem:s8+$0xA0] =	vst v0  }
0xac: {  	v0 =	vor.u32 v1, v7;
	v10 =	vand.u32 $0xFFFF, v2;
	v6 =	vld [tilespmem:s1+$0xB0]  }
0xad: {  	[tilespmem:s8+$0xFFFFFF30] =	vst v0;
	v12 =	vld [tilespmem:s8+$0xFFFFFF70];
	v9 =	vand.u32 $0xFFFF, v4  }
.Ltmp0:
0xae: {  	v8 =	vld [tilespmem:s8+$0xFFFFFFB0];
	v4 =	vand.u32 $0xFFFF, v5;
	(pc) =	sbr.rel @p0 .LBB2_3-.Ltmp0, $4  }
0xaf: {  	v7 =	vld [tilespmem:s8+$0xFFFFFFF0];
	v2 =	vand.u32 $0xFFFF, v11  }
0xb0: {  	v5 =	vld [tilespmem:s8+$0x30];
	v1 =	vand.u32 $0xFFFF, v3  }
0xb1: {  	v3 =	vld [tilespmem:s8+$0x70];
	v0 =	vand.u32 $0xFFFF, v6  }
0xb2: {  	s8 =	sadd.s32 $0x200, s8;
	v11 =	vand.u32 $0xFFFF0000, v12;
	v6 =	vld [tilespmem:s3+$0xB0]  }
0xb3: {  	v10 =	vor.u32 v11, v10;
	v8 =	vand.u32 $0xFFFF0000, v8  }
0xb4: {  	[tilespmem:s3+$0xFFFFFF70] =	vst v10;
	v8 =	vor.u32 v8, v9;
	v7 =	vand.u32 $0xFFFF0000, v7  }
0xb5: {  	s1 =	sadd.s32 s5, s16;
	[tilespmem:s3+$0xFFFFFFB0] =	vst v8;
	v4 =	vor.u32 v7, v4;
	v5 =	vand.u32 $0xFFFF0000, v5  }
0xb6: {  	s1 =	sshll.u32 s1, $0x7;
	[tilespmem:s3+$0xFFFFFFF0] =	vst v4;
	v2 =	vor.u32 v5, v2;
	v3 =	vand.u32 $0xFFFF0000, v3  }
0xb7: {  	s1 =	sor.u32 s6, s1;
	[tilespmem:s3+$0x30] =	vst v2;
	v1 =	vor.u32 v3, v1;
	v2 =	vand.u32 $0xFFFF0000, v6  }
0xb8: {  	s1 =	sshrl.u32 s1, $0x3;
	[tilespmem:s3+$0x70] =	vst v1;
	v0 =	vor.u32 v2, v0  }
0xb9: {  	s1 =	sadd.s32 s4, s1;
	[tilespmem:s3+$0xB0] =	vst v0  }
0xba: {  	[hbm4b:s1+s24] =	stream.strided.scatter [tilespmem:s19], [sflag:$0x3], $0x4000, s25, s24, $0x38;
	[tilespmem:$0x1C350] =	vst v63  }
0xbb: {  	_ =	swait.ge [sflag:s26], $0x4000  }
0xbc: {  	[sflag:s26] =	ssyncset.done $0x0  }
0xbd: {  	[sflag:s26] =	ssyncadd.s32 $0xFFFFC000  }
0xbe: {  	_ =	swait.ge [sflag:s26], $0x4000  }
0xbf: {  	[sflag:s26] =	ssyncset.done $0x0  }
0xc0: {  	s3 =	simm.s32 $0x14450;
	[sflag:s26] =	ssyncadd.s32 $0xFFFFC000  }
0xc1: {  	s1 =	simm.s32 $0x18450;
	v0 =	vld [tilespmem:s3+$0xC0]  }
0xc2: {  	v1 =	vld [tilespmem:s1+$0xC0]  }
0xc3: {  	v2 =	vld [tilespmem:s1+$0xFFFFFF00]  }
0xc4: {  	v3 =	vld [tilespmem:s3+$0xFFFFFF40]  }
0xc5: {  	v4 =	vld [tilespmem:s1+$0xFFFFFF40]  }
0xc6: {  	v6 =	vld [tilespmem:s1+$0xFFFFFF80]  }
0xc7: {  	v7 =	vld [tilespmem:s3+$0xFFFFFFC0]  }
0xc8: {  	v8 =	vld [tilespmem:s1+$0xFFFFFFC0]  }
0xc9: {  	v9 =	vld [tilespmem:s3+$0x0]  }
0xca: {  	v10 =	vld [tilespmem:s1+$0x0]  }
0xcb: {  	v11 =	vld [tilespmem:s3+$0x40];
	v0 =	vand.u32 $0xFFFF0000, v0;
	v1 =	vand.u32 $0xFFFF, v1  }
0xcc: {  	v0 =	vor.u32 v0, v1;
	v1 =	vld [tilespmem:s3+$0xFFFFFF80]  }
0xcd: {  	[tilespmem:s3+$0xC0] =	vst v0;
	v0 =	vld [tilespmem:s3+$0xD0]  }
0xce: {  	v5 =	vld [tilespmem:s1+$0xD0]  }
0xcf: {  	v13 =	vld [tilespmem:s3+$0x80]  }
0xd0: {  	v58 =	vld [tilespmem:s3+$0xFFFFFFD0];
	v3 =	vand.u32 $0xFFFF0000, v3;
	v4 =	vand.u32 $0xFFFF, v4  }
0xd1: {  	v59 =	vld [tilespmem:s3+$0x10];
	v3 =	vor.u32 v3, v4;
	v4 =	vand.u32 $0xFFFF, v6  }
0xd2: {  	v61 =	vld [tilespmem:s3+$0x20];
	[tilespmem:s3+$0xFFFFFF40] =	vst v3;
	v3 =	vand.u32 $0xFFFF0000, v7;
	v1 =	vand.u32 $0xFFFF0000, v1;
	v0 =	vand.u32 $0xFFFF0000, v0  }
0xd3: {  	v1 =	vor.u32 v1, v4;
	v4 =	vand.u32 $0xFFFF, v8;
	v8 =	vld [tilespmem:s1+$0xFFFFFF50];
	v5 =	vand.u32 $0xFFFF, v5  }
0xd4: {  	[tilespmem:s3+$0xFFFFFF80] =	vst v1;
	v1 =	vor.u32 v3, v4;
	v4 =	vand.u32 $0xFFFF, v10;
	v10 =	vld [tilespmem:s3+$0xFFFFFF50];
	v0 =	vor.u32 v0, v5  }
0xd5: {  	[tilespmem:s3+$0xD0] =	vst v0;
	v0 =	vld [tilespmem:s3+$0xE0]  }
0xd6: {  	v12 =	vld [tilespmem:s1+$0xE0]  }
0xd7: {  	v5 =	vld [tilespmem:s1+$0x40]  }
0xd8: {  	v7 =	vld [tilespmem:s3+$0xFFFFFF00]  }
0xd9: {  	v15 =	vld [tilespmem:s3+$0xFFFFFF70];
	v3 =	vand.u32 $0xFFFF0000, v9  }
0xda: {  	v6 =	vld [tilespmem:s1+$0x80];
	[tilespmem:s3+$0xFFFFFFC0] =	vst v1;
	v1 =	vor.u32 v3, v4;
	v8 =	vand.u32 $0xFFFF, v8  }
0xdb: {  	v3 =	vld [tilespmem:s1+$0xFFFFFF90];
	v10 =	vand.u32 $0xFFFF0000, v10;
	v0 =	vand.u32 $0xFFFF0000, v0;
	v4 =	vand.u32 $0xFFFF, v12  }
0xdc: {  	[tilespmem:s3+$0x0] =	vst v1;
	v1 =	vld [tilespmem:s1+$0xFFFFFFD0];
	v5 =	vand.u32 $0xFFFF, v5;
	v0 =	vor.u32 v0, v4;
	v4 =	vand.u32 $0xFFFF0000, v11  }
0xdd: {  	v9 =	vld [tilespmem:s1+$0x10];
	[tilespmem:s3+$0xE0] =	vst v0;
	v0 =	vand.u32 $0xFFFF, v2;
	v2 =	vor.u32 v4, v5;
	v4 =	vand.u32 $0xFFFF0000, v7  }
0xde: {  	v8 =	vor.u32 v10, v8;
	v10 =	vld [tilespmem:s3+$0xFFFFFF20];
	v0 =	vor.u32 v4, v0  }
0xdf: {  	v6 =	vand.u32 $0xFFFF, v6;
	v11 =	vld [tilespmem:s3+$0xFFFFFF90];
	v4 =	vand.u32 $0xFFFF0000, v13;
	[tilespmem:s3+$0xFFFFFF00] =	vst v0  }
0xe0: {  	[tilespmem:s3+$0xFFFFFF50] =	vst v8;
	v4 =	vor.u32 v4, v6;
	v6 =	vld [tilespmem:s1+$0xFFFFFF10]  }
0xe1: {  	[tilespmem:s3+$0x80] =	vst v4;
	v4 =	vld [tilespmem:s3+$0xFFFFFF10]  }
0xe2: {  	v60 =	vld [tilespmem:s1+$0xFFFFFF60]  }
0xe3: {  	v5 =	vld [tilespmem:s3+$0xF0]  }
0xe4: {  	[tilespmem:s3+$0x40] =	vst v2;
	v2 =	vld [tilespmem:s1+$0xF0]  }
0xe5: {  	v3 =	vand.u32 $0xFFFF, v3;
	v0 =	vld [tilespmem:s1+$0x50];
	v11 =	vand.u32 $0xFFFF0000, v11  }
0xe6: {  	v7 =	vld [tilespmem:s1+$0x90];
	v3 =	vor.u32 v11, v3;
	v6 =	vand.u32 $0xFFFF, v6;
	v4 =	vand.u32 $0xFFFF0000, v4  }
0xe7: {  	v1 =	vand.u32 $0xFFFF, v1;
	v11 =	vand.u32 $0xFFFF0000, v58;
	[tilespmem:s3+$0xFFFFFF90] =	vst v3;
	v4 =	vor.u32 v4, v6;
	v6 =	vld [tilespmem:s3+$0x50]  }
0xe8: {  	v1 =	vor.u32 v11, v1;
	v11 =	vld [tilespmem:s1+$0xFFFFFFA0]  }
0xe9: {  	v9 =	vand.u32 $0xFFFF, v9;
	v3 =	vand.u32 $0xFFFF0000, v59;
	[tilespmem:s3+$0xFFFFFF10] =	vst v4;
	v4 =	vld [tilespmem:s3+$0x90]  }
0xea: {  	[tilespmem:s3+$0xFFFFFFD0] =	vst v1;
	v1 =	vor.u32 v3, v9;
	v9 =	vld [tilespmem:s3+$0xFFFFFFE0]  }
0xeb: {  	v8 =	vld [tilespmem:s1+$0xFFFFFF20]  }
0xec: {  	v0 =	vand.u32 $0xFFFF, v0;
	[tilespmem:s3+$0x10] =	vst v1;
	v3 =	vand.u32 $0xFFFF0000, v6;
	v6 =	vand.u32 $0xFFFF, v7;
	v7 =	vld [tilespmem:s1+$0xFFFFFFE0]  }
0xed: {  	v0 =	vor.u32 v3, v0;
	v3 =	vld [tilespmem:s1+$0x20]  }
0xee: {  	v1 =	vand.u32 $0xFFFF0000, v4;
	v4 =	vld [tilespmem:s3+$0xFFFFFF60]  }
0xef: {  	[tilespmem:s3+$0x50] =	vst v0;
	v0 =	vor.u32 v1, v6;
	v6 =	vld [tilespmem:s3+$0xFFFFFFA0]  }
0xf0: {  	v10 =	vand.u32 $0xFFFF0000, v10;
	v8 =	vand.u32 $0xFFFF, v8;
	v1 =	vld [tilespmem:s1+$0x60]  }
0xf1: {  	[tilespmem:s3+$0x90] =	vst v0;
	v8 =	vor.u32 v10, v8;
	v10 =	vld [tilespmem:s3+$0x60]  }
0xf2: {  	v0 =	vld [tilespmem:s1+$0xA0]  }
0xf3: {  	v12 =	vand.u32 $0xFFFF, v60;
	[tilespmem:s3+$0xFFFFFF20] =	vst v8;
	v8 =	vld [tilespmem:s3+$0xA0];
	v4 =	vand.u32 $0xFFFF0000, v4  }
0xf4: {  	v11 =	vand.u32 $0xFFFF, v11;
	v62 =	vld [tilespmem:s1+$0xFFFFFF30];
	v4 =	vor.u32 v4, v12;
	v6 =	vand.u32 $0xFFFF0000, v6  }
0xf5: {  	v9 =	vand.u32 $0xFFFF0000, v9;
	[tilespmem:s3+$0xFFFFFF60] =	vst v4;
	v4 =	vand.u32 $0xFFFF, v7;
	v6 =	vor.u32 v6, v11;
	v7 =	vld [tilespmem:s3+$0xFFFFFF30]  }
0xf6: {  	v3 =	vand.u32 $0xFFFF, v3;
	[tilespmem:s3+$0xFFFFFFA0] =	vst v6;
	v6 =	vld [tilespmem:s1+$0xFFFFFF70];
	v4 =	vor.u32 v9, v4;
	v9 =	vand.u32 $0xFFFF0000, v61  }
0xf7: {  	v1 =	vand.u32 $0xFFFF, v1;
	v11 =	vld [tilespmem:s1+$0xFFFFFFB0];
	[tilespmem:s3+$0xFFFFFFE0] =	vst v4;
	v3 =	vor.u32 v9, v3;
	v4 =	vand.u32 $0xFFFF0000, v10  }
0xf8: {  	v0 =	vand.u32 $0xFFFF, v0;
	v63 =	vld [tilespmem:s1+$0xFFFFFFF0];
	[tilespmem:s3+$0x20] =	vst v3;
	v1 =	vor.u32 v4, v1;
	v3 =	vand.u32 $0xFFFF0000, v8  }
0xf9: {  	v14 =	vld [tilespmem:s1+$0x30];
	[tilespmem:s3+$0x60] =	vst v1;
	v0 =	vor.u32 v3, v0  }
0xfa: {  	v1 =	vld [tilespmem:s1+$0x70];
	[tilespmem:s3+$0xA0] =	vst v0  }
0xfb: {  	v0 =	vld [tilespmem:s1+$0xB0]  }
0xfc: {  	v2 =	vand.u32 $0xFFFF, v2;
	v8 =	vld [tilespmem:s3+$0xFFFFFFB0]  }
0xfd: {  	v4 =	vand.u32 $0xFFFF, v62;
	v3 =	vand.u32 $0xFFFF0000, v5;
	v5 =	vand.u32 $0xFFFF0000, v7;
	v7 =	vld [tilespmem:s3+$0xFFFFFFF0]  }
0xfe: {  	v2 =	vor.u32 v3, v2;
	v12 =	vor.u32 v5, v4;
	v10 =	vand.u32 $0xFFFF, v6;
	v5 =	vld [tilespmem:s3+$0x30]  }
0xff: {  	v3 =	vld [tilespmem:s3+$0x70];
	[tilespmem:s3+$0xF0] =	vst v2;
	v9 =	vand.u32 $0xFFFF, v11;
	v11 =	vand.u32 $0xFFFF0000, v15;
	v4 =	vand.u32 $0xFFFF, v63  }
0x100: {  	s7 =	simm.s32 $0x0;
	s8 =	simm.s32 $0x14650;
	v6 =	vld [tilespmem:s3+$0xB0];
	[tilespmem:s3+$0xFFFFFF30] =	vst v12;
	v2 =	vand.u32 $0xFFFF, v14;
	v1 =	vand.u32 $0xFFFF, v1;
	v0 =	vand.u32 $0xFFFF, v0  }
.LBB2_5:
0x101: {  	v12 =	vld [tilespmem:s8+$0xC0];
	v10 =	vor.u32 v11, v10;
	v8 =	vand.u32 $0xFFFF0000, v8;
	s1 =	sadd.s32 $0x200, s1  }
0x102: {  	s7 =	sadd.s32 $0x8, s7;
	v11 =	vld [tilespmem:s1+$0xC0];
	[tilespmem:s3+$0xFFFFFF70] =	vst v10;
	v8 =	vor.u32 v8, v9;
	v7 =	vand.u32 $0xFFFF0000, v7  }
0x103: {  	p0 =	slt.u32 s7, $0xF8;
	v9 =	vld [tilespmem:s1+$0xFFFFFF00];
	[tilespmem:s3+$0xFFFFFFB0] =	vst v8;
	v4 =	vor.u32 v7, v4;
	v5 =	vand.u32 $0xFFFF0000, v5  }
0x104: {  	v7 =	vld [tilespmem:s8+$0xFFFFFF40];
	[tilespmem:s3+$0xFFFFFFF0] =	vst v4;
	v2 =	vor.u32 v5, v2;
	v3 =	vand.u32 $0xFFFF0000, v3  }
0x105: {  	v4 =	vld [tilespmem:s1+$0xFFFFFF40];
	[tilespmem:s3+$0x30] =	vst v2;
	v1 =	vor.u32 v3, v1;
	v2 =	vand.u32 $0xFFFF0000, v6  }
0x106: {  	v3 =	vld [tilespmem:s8+$0xFFFFFF80];
	[tilespmem:s3+$0x70] =	vst v1;
	v0 =	vor.u32 v2, v0  }
0x107: {  	v2 =	vand.u32 $0xFFFF0000, v12;
	v1 =	vld [tilespmem:s1+$0xFFFFFF80];
	v5 =	vand.u32 $0xFFFF, v11;
	[tilespmem:s3+$0xB0] =	vst v0;
	s3 =	smov.u32 s8  }
0x108: {  	v0 =	vand.u32 $0xFFFF, v9;
	v6 =	vld [tilespmem:s8+$0xFFFFFFC0];
	v2 =	vor.u32 v2, v5  }
0x109: {  	v5 =	vand.u32 $0xFFFF0000, v7;
	[tilespmem:s8+$0xC0] =	vst v2;
	v2 =	vld [tilespmem:s8+$0xD0]  }
0x10a: {  	v4 =	vand.u32 $0xFFFF, v4;
	v7 =	vld [tilespmem:s1+$0xD0]  }
0x10b: {  	v4 =	vor.u32 v5, v4;
	v3 =	vand.u32 $0xFFFF0000, v3;
	v5 =	vld [tilespmem:s1+$0xFFFFFFC0]  }
0x10c: {  	[tilespmem:s8+$0xFFFFFF40] =	vst v4;
	v1 =	vand.u32 $0xFFFF, v1;
	v4 =	vld [tilespmem:s8+$0x0]  }
0x10d: {  	v1 =	vor.u32 v3, v1;
	v3 =	vand.u32 $0xFFFF0000, v6;
	v6 =	vld [tilespmem:s1+$0x0]  }
0x10e: {  	[tilespmem:s8+$0xFFFFFF80] =	vst v1;
	v1 =	vld [tilespmem:s8+$0x40]  }
0x10f: {  	v2 =	vand.u32 $0xFFFF0000, v2;
	v8 =	vld [tilespmem:s1+$0x40];
	v7 =	vand.u32 $0xFFFF, v7  }
0x110: {  	v5 =	vand.u32 $0xFFFF, v5;
	v9 =	vld [tilespmem:s8+$0x80];
	v2 =	vor.u32 v2, v7  }
0x111: {  	v3 =	vor.u32 v3, v5;
	v4 =	vand.u32 $0xFFFF0000, v4;
	[tilespmem:s8+$0xD0] =	vst v2;
	v2 =	vld [tilespmem:s8+$0xE0]  }
0x112: {  	[tilespmem:s8+$0xFFFFFFC0] =	vst v3;
	v3 =	vand.u32 $0xFFFF, v6;
	v5 =	vld [tilespmem:s1+$0xE0]  }
0x113: {  	v3 =	vor.u32 v4, v3;
	v1 =	vand.u32 $0xFFFF0000, v1;
	v4 =	vld [tilespmem:s1+$0x80]  }
0x114: {  	v6 =	vld [tilespmem:s8+$0xFFFFFF00];
	[tilespmem:s8+$0x0] =	vst v3;
	v3 =	vand.u32 $0xFFFF, v8  }
0x115: {  	v7 =	vld [tilespmem:s1+$0xFFFFFF50];
	v1 =	vor.u32 v1, v3;
	v3 =	vand.u32 $0xFFFF0000, v9  }
0x116: {  	v8 =	vld [tilespmem:s1+$0xFFFFFF90];
	[tilespmem:s8+$0x40] =	vst v1  }
0x117: {  	v2 =	vand.u32 $0xFFFF0000, v2;
	v1 =	vld [tilespmem:s1+$0xFFFFFFD0];
	v5 =	vand.u32 $0xFFFF, v5  }
0x118: {  	v9 =	vld [tilespmem:s1+$0x10];
	v4 =	vand.u32 $0xFFFF, v4;
	v2 =	vor.u32 v2, v5  }
0x119: {  	v5 =	vand.u32 $0xFFFF0000, v6;
	v3 =	vor.u32 v3, v4;
	[tilespmem:s8+$0xE0] =	vst v2;
	v2 =	vld [tilespmem:s8+$0xF0]  }
0x11a: {  	v0 =	vor.u32 v5, v0;
	v4 =	vand.u32 $0xFFFF, v7;
	[tilespmem:s8+$0x80] =	vst v3;
	v3 =	vld [tilespmem:s1+$0xF0]  }
0x11b: {  	[tilespmem:s8+$0xFFFFFF00] =	vst v0;
	v0 =	vand.u32 $0xFFFF, v8;
	v5 =	vld [tilespmem:s1+$0x50]  }
0x11c: {  	v6 =	vld [tilespmem:s1+$0xFFFFFF10];
	v1 =	vand.u32 $0xFFFF, v1  }
0x11d: {  	v7 =	vand.u32 $0xFFFF, v9;
	v8 =	vld [tilespmem:s1+$0x90]  }
0x11e: {  	v9 =	vld [tilespmem:s8+$0xFFFFFF10]  }
0x11f: {  	v2 =	vand.u32 $0xFFFF0000, v2;
	v10 =	vld [tilespmem:s8+$0xFFFFFF50];
	v3 =	vand.u32 $0xFFFF, v3  }
0x120: {  	v11 =	vld [tilespmem:s8+$0xFFFFFF90];
	v5 =	vand.u32 $0xFFFF, v5;
	v2 =	vor.u32 v2, v3  }
0x121: {  	v3 =	vand.u32 $0xFFFF, v6;
	v6 =	vld [tilespmem:s8+$0xFFFFFFD0];
	[tilespmem:s8+$0xF0] =	vst v2  }
0x122: {  	v2 =	vld [tilespmem:s8+$0x10];
	v8 =	vand.u32 $0xFFFF, v8  }
0x123: {  	v9 =	vand.u32 $0xFFFF0000, v9;
	v12 =	vld [tilespmem:s8+$0x50]  }
0x124: {  	v3 =	vor.u32 v9, v3;
	v9 =	vand.u32 $0xFFFF0000, v10;
	v10 =	vld [tilespmem:s8+$0x90]  }
0x125: {  	[tilespmem:s8+$0xFFFFFF10] =	vst v3;
	v3 =	vld [tilespmem:s8+$0xFFFFFF20];
	v4 =	vor.u32 v9, v4;
	v9 =	vand.u32 $0xFFFF0000, v11  }
0x126: {  	v11 =	vld [tilespmem:s1+$0xFFFFFF20];
	[tilespmem:s8+$0xFFFFFF50] =	vst v4;
	v0 =	vor.u32 v9, v0;
	v4 =	vand.u32 $0xFFFF0000, v6  }
0x127: {  	v6 =	vld [tilespmem:s1+$0xFFFFFF60];
	[tilespmem:s8+$0xFFFFFF90] =	vst v0;
	v0 =	vor.u32 v4, v1;
	v1 =	vand.u32 $0xFFFF0000, v2  }
0x128: {  	v2 =	vld [tilespmem:s1+$0xFFFFFFA0];
	[tilespmem:s8+$0xFFFFFFD0] =	vst v0;
	v0 =	vor.u32 v1, v7;
	v1 =	vand.u32 $0xFFFF0000, v12  }
0x129: {  	v4 =	vld [tilespmem:s1+$0xFFFFFFE0];
	[tilespmem:s8+$0x10] =	vst v0;
	v0 =	vor.u32 v1, v5;
	v1 =	vand.u32 $0xFFFF0000, v10  }
0x12a: {  	v3 =	vand.u32 $0xFFFF0000, v3;
	v5 =	vld [tilespmem:s1+$0x20];
	[tilespmem:s8+$0x50] =	vst v0;
	v0 =	vor.u32 v1, v8  }
0x12b: {  	v1 =	vand.u32 $0xFFFF, v11;
	v7 =	vld [tilespmem:s1+$0x60];
	[tilespmem:s8+$0x90] =	vst v0  }
0x12c: {  	v0 =	vor.u32 v3, v1;
	v1 =	vand.u32 $0xFFFF, v6;
	v3 =	vld [tilespmem:s1+$0xA0]  }
0x12d: {  	[tilespmem:s8+$0xFFFFFF20] =	vst v0;
	v0 =	vld [tilespmem:s8+$0xFFFFFF60];
	v2 =	vand.u32 $0xFFFF, v2  }
0x12e: {  	v6 =	vld [tilespmem:s8+$0xFFFFFFA0];
	v4 =	vand.u32 $0xFFFF, v4  }
0x12f: {  	v8 =	vld [tilespmem:s8+$0xFFFFFFE0];
	v5 =	vand.u32 $0xFFFF, v5  }
0x130: {  	v9 =	vld [tilespmem:s8+$0x20];
	v7 =	vand.u32 $0xFFFF, v7  }
0x131: {  	v10 =	vld [tilespmem:s8+$0x60];
	v3 =	vand.u32 $0xFFFF, v3  }
0x132: {  	v0 =	vand.u32 $0xFFFF0000, v0;
	v11 =	vld [tilespmem:s8+$0xA0]  }
0x133: {  	v12 =	vld [tilespmem:s1+$0xFFFFFF30];
	v0 =	vor.u32 v0, v1;
	v1 =	vand.u32 $0xFFFF0000, v6  }
0x134: {  	v6 =	vld [tilespmem:s8+$0xFFFFFF30];
	[tilespmem:s8+$0xFFFFFF60] =	vst v0;
	v0 =	vor.u32 v1, v2;
	v1 =	vand.u32 $0xFFFF0000, v8  }
0x135: {  	v2 =	vld [tilespmem:s1+$0xFFFFFF70];
	[tilespmem:s8+$0xFFFFFFA0] =	vst v0;
	v0 =	vor.u32 v1, v4;
	v1 =	vand.u32 $0xFFFF0000, v9  }
0x136: {  	v4 =	vld [tilespmem:s1+$0xFFFFFFB0];
	[tilespmem:s8+$0xFFFFFFE0] =	vst v0;
	v0 =	vor.u32 v1, v5;
	v1 =	vand.u32 $0xFFFF0000, v10  }
0x137: {  	v5 =	vld [tilespmem:s1+$0xFFFFFFF0];
	[tilespmem:s8+$0x20] =	vst v0;
	v0 =	vor.u32 v1, v7;
	v1 =	vand.u32 $0xFFFF0000, v11  }
0x138: {  	v7 =	vand.u32 $0xFFFF, v12;
	v11 =	vld [tilespmem:s1+$0x30];
	[tilespmem:s8+$0x60] =	vst v0;
	v0 =	vor.u32 v1, v3  }
0x139: {  	v1 =	vand.u32 $0xFFFF0000, v6;
	v3 =	vld [tilespmem:s1+$0x70];
	[tilespmem:s8+$0xA0] =	vst v0  }
0x13a: {  	v0 =	vor.u32 v1, v7;
	v10 =	vand.u32 $0xFFFF, v2;
	v6 =	vld [tilespmem:s1+$0xB0]  }
0x13b: {  	[tilespmem:s8+$0xFFFFFF30] =	vst v0;
	v12 =	vld [tilespmem:s8+$0xFFFFFF70];
	v9 =	vand.u32 $0xFFFF, v4  }
.Ltmp1:
0x13c: {  	v8 =	vld [tilespmem:s8+$0xFFFFFFB0];
	v4 =	vand.u32 $0xFFFF, v5;
	(pc) =	sbr.rel @p0 .LBB2_5-.Ltmp1, $4  }
0x13d: {  	v7 =	vld [tilespmem:s8+$0xFFFFFFF0];
	v2 =	vand.u32 $0xFFFF, v11  }
0x13e: {  	v5 =	vld [tilespmem:s8+$0x30];
	v1 =	vand.u32 $0xFFFF, v3  }
0x13f: {  	v3 =	vld [tilespmem:s8+$0x70];
	v0 =	vand.u32 $0xFFFF, v6  }
0x140: {  	s8 =	sadd.s32 $0x200, s8;
	v11 =	vand.u32 $0xFFFF0000, v12;
	v6 =	vld [tilespmem:s3+$0xB0]  }
0x141: {  	v10 =	vor.u32 v11, v10;
	v8 =	vand.u32 $0xFFFF0000, v8  }
0x142: {  	[tilespmem:s3+$0xFFFFFF70] =	vst v10;
	v8 =	vor.u32 v8, v9;
	v7 =	vand.u32 $0xFFFF0000, v7  }
0x143: {  	s0 =	sadd.s32 s5, s0;
	[tilespmem:s3+$0xFFFFFFB0] =	vst v8;
	v4 =	vor.u32 v7, v4;
	v5 =	vand.u32 $0xFFFF0000, v5  }
0x144: {  	s0 =	sshll.u32 s0, $0x7;
	[tilespmem:s3+$0xFFFFFFF0] =	vst v4;
	v2 =	vor.u32 v5, v2;
	v3 =	vand.u32 $0xFFFF0000, v3  }
0x145: {  	s0 =	sor.u32 s6, s0;
	[tilespmem:s3+$0x30] =	vst v2;
	v1 =	vor.u32 v3, v1;
	v63 =	vand.u32 $0xFFFF0000, v6  }
0x146: {  	s0 =	sshrl.u32 s0, $0x3;
	[tilespmem:s3+$0x70] =	vst v1;
	v0 =	vor.u32 v63, v0  }
0x147: {  	s31 =	sadd.s32 $0x1, s31;
	s0 =	sadd.s32 s4, s0;
	[tilespmem:s3+$0xB0] =	vst v0  }
0x148: {  	[hbm4b:s0+s24] =	stream.strided.scatter [tilespmem:s21], [sflag:$0x4], $0x4000, s25, s24, $0x38;
	[tilespmem:$0x1C350] =	vst v63  }
0x149: {  	p0 =	sne.s32 s31, $0x9;
	_ =	swait.ge [sflag:s28], $0x4000  }
.Ltmp2:
0x14a: {  	[sflag:s28] =	ssyncset.done $0x0;
	(pc) =	sbr.rel @p0 .LBB2_2-.Ltmp2, $4  }
0x14b: {  	[sflag:s28] =	ssyncadd.s32 $0xFFFFC000  }
0x14c: {  	_ =	swait.ge [sflag:s29], $0x4000  }
0x14d: {  	[sflag:s29] =	ssyncset.done $0x0  }
0x14e: {  	[sflag:s29] =	ssyncadd.s32 $0xFFFFC000  }
0x14f: {  	s0 =	simm.s32 $0xAE40  }
0x150: {  	[tilespmem:s19], [sflag:$0x1] =	stream.indirect.gather [spmem:s2], $0x40, s0, s18, $0xb8;
	[tilespmem:$0x1C350] =	vst v63  }
0x151: {  	s8 =	simm.s32 $0xC1C8  }
0x152: {  	[tilespmem:s20], [sflag:$0x1] =	stream.indirect.gather [spmem:s2], $0x40, s8, s18, $0xb8;
	[tilespmem:$0x1C350] =	vst v63  }
0x153: {  	s16 =	simm.s32 $0x88;
	s1 =	simm.s32 $0xAF40  }
0x154: {  	[tilespmem:s21], [sflag:$0x5] =	stream.indirect.gather [spmem:s2], $0x40, s1, s16, $0xb8;
	[tilespmem:$0x1C350] =	vst v63  }
0x155: {  	s31 =	simm.s32 $0xC2C8  }
0x156: {  	[tilespmem:s22], [sflag:$0x5] =	stream.indirect.gather [spmem:s2], $0x40, s31, s16, $0xb8;
	[tilespmem:$0x1C350] =	vst v63  }
0x157: {  	_ =	swait.ge [sflag:s23], $0x4000  }
0x158: {  	[sflag:s23] =	ssyncset.done $0x0  }
0x159: {  	[sflag:s23] =	ssyncadd.s32 $0xFFFFC000  }
0x15a: {  	_ =	swait.ge [sflag:s23], $0x4000  }
0x15b: {  	[sflag:s23] =	ssyncset.done $0x0  }
0x15c: {  	s0 =	simm.s32 $0xC450;
	[sflag:s23] =	ssyncadd.s32 $0xFFFFC000  }
0x15d: {  	s1 =	simm.s32 $0x10450;
	v0 =	vld [tilespmem:s0+$0xC0]  }
0x15e: {  	v1 =	vld [tilespmem:s1+$0xC0]  }
0x15f: {  	v2 =	vld [tilespmem:s1+$0xFFFFFF00]  }
0x160: {  	v3 =	vld [tilespmem:s0+$0xFFFFFF40]  }
0x161: {  	v4 =	vld [tilespmem:s1+$0xFFFFFF40]  }
0x162: {  	v6 =	vld [tilespmem:s1+$0xFFFFFF80]  }
0x163: {  	v7 =	vld [tilespmem:s0+$0xFFFFFFC0]  }
0x164: {  	v8 =	vld [tilespmem:s1+$0xFFFFFFC0]  }
0x165: {  	v9 =	vld [tilespmem:s0+$0x0]  }
0x166: {  	v10 =	vld [tilespmem:s1+$0x0]  }
0x167: {  	v11 =	vld [tilespmem:s0+$0x40];
	v0 =	vand.u32 $0xFFFF0000, v0;
	v1 =	vand.u32 $0xFFFF, v1  }
0x168: {  	v0 =	vor.u32 v0, v1;
	v1 =	vld [tilespmem:s0+$0xFFFFFF80]  }
0x169: {  	[tilespmem:s0+$0xC0] =	vst v0;
	v0 =	vld [tilespmem:s0+$0xD0]  }
0x16a: {  	v5 =	vld [tilespmem:s1+$0xD0]  }
0x16b: {  	v13 =	vld [tilespmem:s0+$0x80]  }
0x16c: {  	v58 =	vld [tilespmem:s0+$0xFFFFFFD0];
	v3 =	vand.u32 $0xFFFF0000, v3;
	v4 =	vand.u32 $0xFFFF, v4  }
0x16d: {  	v59 =	vld [tilespmem:s0+$0x10];
	v3 =	vor.u32 v3, v4;
	v4 =	vand.u32 $0xFFFF, v6  }
0x16e: {  	v61 =	vld [tilespmem:s0+$0x20];
	[tilespmem:s0+$0xFFFFFF40] =	vst v3;
	v3 =	vand.u32 $0xFFFF0000, v7;
	v1 =	vand.u32 $0xFFFF0000, v1;
	v0 =	vand.u32 $0xFFFF0000, v0  }
0x16f: {  	v1 =	vor.u32 v1, v4;
	v4 =	vand.u32 $0xFFFF, v8;
	v8 =	vld [tilespmem:s1+$0xFFFFFF50];
	v5 =	vand.u32 $0xFFFF, v5  }
0x170: {  	[tilespmem:s0+$0xFFFFFF80] =	vst v1;
	v1 =	vor.u32 v3, v4;
	v4 =	vand.u32 $0xFFFF, v10;
	v10 =	vld [tilespmem:s0+$0xFFFFFF50];
	v0 =	vor.u32 v0, v5  }
0x171: {  	[tilespmem:s0+$0xD0] =	vst v0;
	v0 =	vld [tilespmem:s0+$0xE0]  }
0x172: {  	v12 =	vld [tilespmem:s1+$0xE0]  }
0x173: {  	v5 =	vld [tilespmem:s1+$0x40]  }
0x174: {  	v7 =	vld [tilespmem:s0+$0xFFFFFF00]  }
0x175: {  	v15 =	vld [tilespmem:s0+$0xFFFFFF70];
	v3 =	vand.u32 $0xFFFF0000, v9  }
0x176: {  	v6 =	vld [tilespmem:s1+$0x80];
	[tilespmem:s0+$0xFFFFFFC0] =	vst v1;
	v1 =	vor.u32 v3, v4;
	v8 =	vand.u32 $0xFFFF, v8  }
0x177: {  	v3 =	vld [tilespmem:s1+$0xFFFFFF90];
	v10 =	vand.u32 $0xFFFF0000, v10;
	v0 =	vand.u32 $0xFFFF0000, v0;
	v4 =	vand.u32 $0xFFFF, v12  }
0x178: {  	[tilespmem:s0+$0x0] =	vst v1;
	v1 =	vld [tilespmem:s1+$0xFFFFFFD0];
	v5 =	vand.u32 $0xFFFF, v5;
	v0 =	vor.u32 v0, v4;
	v4 =	vand.u32 $0xFFFF0000, v11  }
0x179: {  	v9 =	vld [tilespmem:s1+$0x10];
	[tilespmem:s0+$0xE0] =	vst v0;
	v0 =	vand.u32 $0xFFFF, v2;
	v2 =	vor.u32 v4, v5;
	v4 =	vand.u32 $0xFFFF0000, v7  }
0x17a: {  	v8 =	vor.u32 v10, v8;
	v10 =	vld [tilespmem:s0+$0xFFFFFF20];
	v0 =	vor.u32 v4, v0  }
0x17b: {  	v6 =	vand.u32 $0xFFFF, v6;
	v11 =	vld [tilespmem:s0+$0xFFFFFF90];
	v4 =	vand.u32 $0xFFFF0000, v13;
	[tilespmem:s0+$0xFFFFFF00] =	vst v0  }
0x17c: {  	[tilespmem:s0+$0xFFFFFF50] =	vst v8;
	v4 =	vor.u32 v4, v6;
	v6 =	vld [tilespmem:s1+$0xFFFFFF10]  }
0x17d: {  	[tilespmem:s0+$0x80] =	vst v4;
	v4 =	vld [tilespmem:s0+$0xFFFFFF10]  }
0x17e: {  	v60 =	vld [tilespmem:s1+$0xFFFFFF60]  }
0x17f: {  	v5 =	vld [tilespmem:s0+$0xF0]  }
0x180: {  	[tilespmem:s0+$0x40] =	vst v2;
	v2 =	vld [tilespmem:s1+$0xF0]  }
0x181: {  	v3 =	vand.u32 $0xFFFF, v3;
	v0 =	vld [tilespmem:s1+$0x50];
	v11 =	vand.u32 $0xFFFF0000, v11  }
0x182: {  	v7 =	vld [tilespmem:s1+$0x90];
	v3 =	vor.u32 v11, v3;
	v6 =	vand.u32 $0xFFFF, v6;
	v4 =	vand.u32 $0xFFFF0000, v4  }
0x183: {  	v1 =	vand.u32 $0xFFFF, v1;
	v11 =	vand.u32 $0xFFFF0000, v58;
	[tilespmem:s0+$0xFFFFFF90] =	vst v3;
	v4 =	vor.u32 v4, v6;
	v6 =	vld [tilespmem:s0+$0x50]  }
0x184: {  	v1 =	vor.u32 v11, v1;
	v11 =	vld [tilespmem:s1+$0xFFFFFFA0]  }
0x185: {  	v9 =	vand.u32 $0xFFFF, v9;
	v3 =	vand.u32 $0xFFFF0000, v59;
	[tilespmem:s0+$0xFFFFFF10] =	vst v4;
	v4 =	vld [tilespmem:s0+$0x90]  }
0x186: {  	[tilespmem:s0+$0xFFFFFFD0] =	vst v1;
	v1 =	vor.u32 v3, v9;
	v9 =	vld [tilespmem:s0+$0xFFFFFFE0]  }
0x187: {  	v8 =	vld [tilespmem:s1+$0xFFFFFF20]  }
0x188: {  	v0 =	vand.u32 $0xFFFF, v0;
	[tilespmem:s0+$0x10] =	vst v1;
	v3 =	vand.u32 $0xFFFF0000, v6;
	v6 =	vand.u32 $0xFFFF, v7;
	v7 =	vld [tilespmem:s1+$0xFFFFFFE0]  }
0x189: {  	v0 =	vor.u32 v3, v0;
	v3 =	vld [tilespmem:s1+$0x20]  }
0x18a: {  	v1 =	vand.u32 $0xFFFF0000, v4;
	v4 =	vld [tilespmem:s0+$0xFFFFFF60]  }
0x18b: {  	[tilespmem:s0+$0x50] =	vst v0;
	v0 =	vor.u32 v1, v6;
	v6 =	vld [tilespmem:s0+$0xFFFFFFA0]  }
0x18c: {  	v10 =	vand.u32 $0xFFFF0000, v10;
	v8 =	vand.u32 $0xFFFF, v8;
	v1 =	vld [tilespmem:s1+$0x60]  }
0x18d: {  	[tilespmem:s0+$0x90] =	vst v0;
	v8 =	vor.u32 v10, v8;
	v10 =	vld [tilespmem:s0+$0x60]  }
0x18e: {  	v0 =	vld [tilespmem:s1+$0xA0]  }
0x18f: {  	v12 =	vand.u32 $0xFFFF, v60;
	[tilespmem:s0+$0xFFFFFF20] =	vst v8;
	v8 =	vld [tilespmem:s0+$0xA0];
	v4 =	vand.u32 $0xFFFF0000, v4  }
0x190: {  	v11 =	vand.u32 $0xFFFF, v11;
	v62 =	vld [tilespmem:s1+$0xFFFFFF30];
	v4 =	vor.u32 v4, v12;
	v6 =	vand.u32 $0xFFFF0000, v6  }
0x191: {  	v9 =	vand.u32 $0xFFFF0000, v9;
	[tilespmem:s0+$0xFFFFFF60] =	vst v4;
	v4 =	vand.u32 $0xFFFF, v7;
	v6 =	vor.u32 v6, v11;
	v7 =	vld [tilespmem:s0+$0xFFFFFF30]  }
0x192: {  	v3 =	vand.u32 $0xFFFF, v3;
	[tilespmem:s0+$0xFFFFFFA0] =	vst v6;
	v11 =	vld [tilespmem:s1+$0xFFFFFF70];
	v4 =	vor.u32 v9, v4;
	v6 =	vand.u32 $0xFFFF0000, v61  }
0x193: {  	v1 =	vand.u32 $0xFFFF, v1;
	v9 =	vld [tilespmem:s1+$0xFFFFFFB0];
	[tilespmem:s0+$0xFFFFFFE0] =	vst v4;
	v3 =	vor.u32 v6, v3;
	v4 =	vand.u32 $0xFFFF0000, v10  }
0x194: {  	v0 =	vand.u32 $0xFFFF, v0;
	v63 =	vld [tilespmem:s1+$0xFFFFFFF0];
	[tilespmem:s0+$0x20] =	vst v3;
	v1 =	vor.u32 v4, v1;
	v3 =	vand.u32 $0xFFFF0000, v8  }
0x195: {  	v14 =	vld [tilespmem:s1+$0x30];
	[tilespmem:s0+$0x60] =	vst v1;
	v0 =	vor.u32 v3, v0  }
0x196: {  	v1 =	vld [tilespmem:s1+$0x70];
	[tilespmem:s0+$0xA0] =	vst v0  }
0x197: {  	v0 =	vld [tilespmem:s1+$0xB0]  }
0x198: {  	v2 =	vand.u32 $0xFFFF, v2;
	v8 =	vld [tilespmem:s0+$0xFFFFFFB0]  }
0x199: {  	v6 =	vld [tilespmem:s0+$0xFFFFFFF0];
	v4 =	vand.u32 $0xFFFF, v62;
	v3 =	vand.u32 $0xFFFF0000, v5;
	v5 =	vand.u32 $0xFFFF0000, v7  }
0x19a: {  	v2 =	vor.u32 v3, v2;
	v7 =	vor.u32 v5, v4;
	v10 =	vand.u32 $0xFFFF, v11;
	v4 =	vld [tilespmem:s0+$0x30]  }
0x19b: {  	[tilespmem:s0+$0xF0] =	vst v2;
	v5 =	vld [tilespmem:s0+$0x70];
	v11 =	vand.u32 $0xFFFF0000, v15;
	v9 =	vand.u32 $0xFFFF, v9;
	v3 =	vand.u32 $0xFFFF, v63  }
0x19c: {  	s3 =	simm.s32 $0x0;
	s7 =	simm.s32 $0xC650;
	[tilespmem:s0+$0xFFFFFF30] =	vst v7;
	v7 =	vld [tilespmem:s0+$0xB0];
	v2 =	vand.u32 $0xFFFF, v14;
	v1 =	vand.u32 $0xFFFF, v1;
	v0 =	vand.u32 $0xFFFF, v0  }
.LBB2_8:
0x19d: {  	v12 =	vld [tilespmem:s7+$0xC0];
	v10 =	vor.u32 v11, v10;
	v8 =	vand.u32 $0xFFFF0000, v8;
	s1 =	sadd.s32 $0x200, s1  }
0x19e: {  	s3 =	sadd.s32 $0x8, s3;
	v11 =	vld [tilespmem:s1+$0xC0];
	[tilespmem:s0+$0xFFFFFF70] =	vst v10;
	v8 =	vor.u32 v8, v9;
	v6 =	vand.u32 $0xFFFF0000, v6  }
0x19f: {  	p0 =	slt.u32 s3, $0xF8;
	v9 =	vld [tilespmem:s1+$0xFFFFFF00];
	[tilespmem:s0+$0xFFFFFFB0] =	vst v8;
	v3 =	vor.u32 v6, v3;
	v4 =	vand.u32 $0xFFFF0000, v4  }
0x1a0: {  	v6 =	vld [tilespmem:s7+$0xFFFFFF40];
	[tilespmem:s0+$0xFFFFFFF0] =	vst v3;
	v2 =	vor.u32 v4, v2;
	v3 =	vand.u32 $0xFFFF0000, v5  }
0x1a1: {  	v4 =	vld [tilespmem:s1+$0xFFFFFF40];
	[tilespmem:s0+$0x30] =	vst v2;
	v1 =	vor.u32 v3, v1;
	v2 =	vand.u32 $0xFFFF0000, v7  }
0x1a2: {  	v3 =	vld [tilespmem:s7+$0xFFFFFF80];
	[tilespmem:s0+$0x70] =	vst v1;
	v0 =	vor.u32 v2, v0  }
0x1a3: {  	v2 =	vand.u32 $0xFFFF0000, v12;
	v1 =	vld [tilespmem:s1+$0xFFFFFF80];
	v5 =	vand.u32 $0xFFFF, v11;
	[tilespmem:s0+$0xB0] =	vst v0;
	s0 =	smov.u32 s7  }
0x1a4: {  	v0 =	vand.u32 $0xFFFF, v9;
	v7 =	vld [tilespmem:s7+$0xFFFFFFC0];
	v2 =	vor.u32 v2, v5  }
0x1a5: {  	v5 =	vand.u32 $0xFFFF0000, v6;
	[tilespmem:s7+$0xC0] =	vst v2;
	v2 =	vld [tilespmem:s7+$0xD0]  }
0x1a6: {  	v4 =	vand.u32 $0xFFFF, v4;
	v6 =	vld [tilespmem:s1+$0xD0]  }
0x1a7: {  	v4 =	vor.u32 v5, v4;
	v3 =	vand.u32 $0xFFFF0000, v3;
	v5 =	vld [tilespmem:s1+$0xFFFFFFC0]  }
0x1a8: {  	[tilespmem:s7+$0xFFFFFF40] =	vst v4;
	v1 =	vand.u32 $0xFFFF, v1;
	v4 =	vld [tilespmem:s7+$0x0]  }
0x1a9: {  	v1 =	vor.u32 v3, v1;
	v3 =	vand.u32 $0xFFFF0000, v7;
	v7 =	vld [tilespmem:s1+$0x0]  }
0x1aa: {  	[tilespmem:s7+$0xFFFFFF80] =	vst v1;
	v1 =	vld [tilespmem:s7+$0x40]  }
0x1ab: {  	v2 =	vand.u32 $0xFFFF0000, v2;
	v8 =	vld [tilespmem:s1+$0x40];
	v6 =	vand.u32 $0xFFFF, v6  }
0x1ac: {  	v5 =	vand.u32 $0xFFFF, v5;
	v9 =	vld [tilespmem:s7+$0x80];
	v2 =	vor.u32 v2, v6  }
0x1ad: {  	v3 =	vor.u32 v3, v5;
	v4 =	vand.u32 $0xFFFF0000, v4;
	[tilespmem:s7+$0xD0] =	vst v2;
	v2 =	vld [tilespmem:s7+$0xE0]  }
0x1ae: {  	[tilespmem:s7+$0xFFFFFFC0] =	vst v3;
	v3 =	vand.u32 $0xFFFF, v7;
	v5 =	vld [tilespmem:s1+$0xE0]  }
0x1af: {  	v3 =	vor.u32 v4, v3;
	v1 =	vand.u32 $0xFFFF0000, v1;
	v4 =	vld [tilespmem:s1+$0x80]  }
0x1b0: {  	v6 =	vld [tilespmem:s7+$0xFFFFFF00];
	[tilespmem:s7+$0x0] =	vst v3;
	v3 =	vand.u32 $0xFFFF, v8  }
0x1b1: {  	v7 =	vld [tilespmem:s1+$0xFFFFFF50];
	v1 =	vor.u32 v1, v3;
	v3 =	vand.u32 $0xFFFF0000, v9  }
0x1b2: {  	v8 =	vld [tilespmem:s1+$0xFFFFFF90];
	[tilespmem:s7+$0x40] =	vst v1  }
0x1b3: {  	v2 =	vand.u32 $0xFFFF0000, v2;
	v1 =	vld [tilespmem:s1+$0xFFFFFFD0];
	v5 =	vand.u32 $0xFFFF, v5  }
0x1b4: {  	v9 =	vld [tilespmem:s1+$0x10];
	v4 =	vand.u32 $0xFFFF, v4;
	v2 =	vor.u32 v2, v5  }
0x1b5: {  	v5 =	vand.u32 $0xFFFF0000, v6;
	v3 =	vor.u32 v3, v4;
	[tilespmem:s7+$0xE0] =	vst v2;
	v2 =	vld [tilespmem:s7+$0xF0]  }
0x1b6: {  	v0 =	vor.u32 v5, v0;
	v4 =	vand.u32 $0xFFFF, v7;
	[tilespmem:s7+$0x80] =	vst v3;
	v3 =	vld [tilespmem:s1+$0xF0]  }
0x1b7: {  	[tilespmem:s7+$0xFFFFFF00] =	vst v0;
	v0 =	vand.u32 $0xFFFF, v8;
	v5 =	vld [tilespmem:s1+$0x50]  }
0x1b8: {  	v6 =	vld [tilespmem:s1+$0xFFFFFF10];
	v1 =	vand.u32 $0xFFFF, v1  }
0x1b9: {  	v7 =	vand.u32 $0xFFFF, v9;
	v8 =	vld [tilespmem:s1+$0x90]  }
0x1ba: {  	v9 =	vld [tilespmem:s7+$0xFFFFFF10]  }
0x1bb: {  	v2 =	vand.u32 $0xFFFF0000, v2;
	v10 =	vld [tilespmem:s7+$0xFFFFFF50];
	v3 =	vand.u32 $0xFFFF, v3  }
0x1bc: {  	v11 =	vld [tilespmem:s7+$0xFFFFFF90];
	v5 =	vand.u32 $0xFFFF, v5;
	v2 =	vor.u32 v2, v3  }
0x1bd: {  	v3 =	vand.u32 $0xFFFF, v6;
	v6 =	vld [tilespmem:s7+$0xFFFFFFD0];
	[tilespmem:s7+$0xF0] =	vst v2  }
0x1be: {  	v2 =	vld [tilespmem:s7+$0x10];
	v8 =	vand.u32 $0xFFFF, v8  }
0x1bf: {  	v9 =	vand.u32 $0xFFFF0000, v9;
	v12 =	vld [tilespmem:s7+$0x50]  }
0x1c0: {  	v3 =	vor.u32 v9, v3;
	v9 =	vand.u32 $0xFFFF0000, v10;
	v10 =	vld [tilespmem:s7+$0x90]  }
0x1c1: {  	[tilespmem:s7+$0xFFFFFF10] =	vst v3;
	v3 =	vld [tilespmem:s7+$0xFFFFFF20];
	v4 =	vor.u32 v9, v4;
	v9 =	vand.u32 $0xFFFF0000, v11  }
0x1c2: {  	v11 =	vld [tilespmem:s1+$0xFFFFFF20];
	[tilespmem:s7+$0xFFFFFF50] =	vst v4;
	v0 =	vor.u32 v9, v0;
	v4 =	vand.u32 $0xFFFF0000, v6  }
0x1c3: {  	v6 =	vld [tilespmem:s1+$0xFFFFFF60];
	[tilespmem:s7+$0xFFFFFF90] =	vst v0;
	v0 =	vor.u32 v4, v1;
	v1 =	vand.u32 $0xFFFF0000, v2  }
0x1c4: {  	v2 =	vld [tilespmem:s1+$0xFFFFFFA0];
	[tilespmem:s7+$0xFFFFFFD0] =	vst v0;
	v0 =	vor.u32 v1, v7;
	v1 =	vand.u32 $0xFFFF0000, v12  }
0x1c5: {  	v4 =	vld [tilespmem:s1+$0xFFFFFFE0];
	[tilespmem:s7+$0x10] =	vst v0;
	v0 =	vor.u32 v1, v5;
	v1 =	vand.u32 $0xFFFF0000, v10  }
0x1c6: {  	v3 =	vand.u32 $0xFFFF0000, v3;
	v5 =	vld [tilespmem:s1+$0x20];
	[tilespmem:s7+$0x50] =	vst v0;
	v0 =	vor.u32 v1, v8  }
0x1c7: {  	v1 =	vand.u32 $0xFFFF, v11;
	v7 =	vld [tilespmem:s1+$0x60];
	[tilespmem:s7+$0x90] =	vst v0  }
0x1c8: {  	v0 =	vor.u32 v3, v1;
	v1 =	vand.u32 $0xFFFF, v6;
	v3 =	vld [tilespmem:s1+$0xA0]  }
0x1c9: {  	[tilespmem:s7+$0xFFFFFF20] =	vst v0;
	v0 =	vld [tilespmem:s7+$0xFFFFFF60];
	v2 =	vand.u32 $0xFFFF, v2  }
0x1ca: {  	v6 =	vld [tilespmem:s7+$0xFFFFFFA0];
	v4 =	vand.u32 $0xFFFF, v4  }
0x1cb: {  	v8 =	vld [tilespmem:s7+$0xFFFFFFE0];
	v5 =	vand.u32 $0xFFFF, v5  }
0x1cc: {  	v9 =	vld [tilespmem:s7+$0x20];
	v7 =	vand.u32 $0xFFFF, v7  }
0x1cd: {  	v10 =	vld [tilespmem:s7+$0x60];
	v3 =	vand.u32 $0xFFFF, v3  }
0x1ce: {  	v0 =	vand.u32 $0xFFFF0000, v0;
	v11 =	vld [tilespmem:s7+$0xA0]  }
0x1cf: {  	v12 =	vld [tilespmem:s1+$0xFFFFFF30];
	v0 =	vor.u32 v0, v1;
	v1 =	vand.u32 $0xFFFF0000, v6  }
0x1d0: {  	v6 =	vld [tilespmem:s7+$0xFFFFFF30];
	[tilespmem:s7+$0xFFFFFF60] =	vst v0;
	v0 =	vor.u32 v1, v2;
	v1 =	vand.u32 $0xFFFF0000, v8  }
0x1d1: {  	v2 =	vld [tilespmem:s1+$0xFFFFFF70];
	[tilespmem:s7+$0xFFFFFFA0] =	vst v0;
	v0 =	vor.u32 v1, v4;
	v1 =	vand.u32 $0xFFFF0000, v9  }
0x1d2: {  	v4 =	vld [tilespmem:s1+$0xFFFFFFB0];
	[tilespmem:s7+$0xFFFFFFE0] =	vst v0;
	v0 =	vor.u32 v1, v5;
	v1 =	vand.u32 $0xFFFF0000, v10  }
0x1d3: {  	v5 =	vld [tilespmem:s1+$0xFFFFFFF0];
	[tilespmem:s7+$0x20] =	vst v0;
	v0 =	vor.u32 v1, v7;
	v1 =	vand.u32 $0xFFFF0000, v11  }
0x1d4: {  	v7 =	vand.u32 $0xFFFF, v12;
	v11 =	vld [tilespmem:s1+$0x30];
	[tilespmem:s7+$0x60] =	vst v0;
	v0 =	vor.u32 v1, v3  }
0x1d5: {  	v1 =	vand.u32 $0xFFFF0000, v6;
	v12 =	vld [tilespmem:s1+$0x70];
	[tilespmem:s7+$0xA0] =	vst v0  }
0x1d6: {  	v0 =	vor.u32 v1, v7;
	v10 =	vand.u32 $0xFFFF, v2;
	v7 =	vld [tilespmem:s1+$0xB0]  }
0x1d7: {  	[tilespmem:s7+$0xFFFFFF30] =	vst v0;
	v13 =	vld [tilespmem:s7+$0xFFFFFF70];
	v9 =	vand.u32 $0xFFFF, v4  }
.Ltmp3:
0x1d8: {  	v8 =	vld [tilespmem:s7+$0xFFFFFFB0];
	v3 =	vand.u32 $0xFFFF, v5;
	(pc) =	sbr.rel @p0 .LBB2_8-.Ltmp3, $4  }
0x1d9: {  	v6 =	vld [tilespmem:s7+$0xFFFFFFF0];
	v2 =	vand.u32 $0xFFFF, v11  }
0x1da: {  	v4 =	vld [tilespmem:s7+$0x30];
	v1 =	vand.u32 $0xFFFF, v12  }
0x1db: {  	v5 =	vld [tilespmem:s7+$0x70];
	v0 =	vand.u32 $0xFFFF, v7  }
0x1dc: {  	s7 =	sadd.s32 $0x200, s7;
	v11 =	vand.u32 $0xFFFF0000, v13;
	v7 =	vld [tilespmem:s0+$0xB0]  }
0x1dd: {  	v10 =	vor.u32 v11, v10;
	v8 =	vand.u32 $0xFFFF0000, v8  }
0x1de: {  	[tilespmem:s0+$0xFFFFFF70] =	vst v10;
	v8 =	vor.u32 v8, v9;
	v6 =	vand.u32 $0xFFFF0000, v6  }
0x1df: {  	[tilespmem:s0+$0xFFFFFFB0] =	vst v8;
	v3 =	vor.u32 v6, v3;
	v4 =	vand.u32 $0xFFFF0000, v4  }
0x1e0: {  	[tilespmem:s0+$0xFFFFFFF0] =	vst v3;
	v2 =	vor.u32 v4, v2;
	v3 =	vand.u32 $0xFFFF0000, v5  }
0x1e1: {  	[tilespmem:s0+$0x30] =	vst v2;
	v1 =	vor.u32 v3, v1;
	v2 =	vand.u32 $0xFFFF0000, v7  }
0x1e2: {  	[tilespmem:s0+$0x70] =	vst v1;
	v0 =	vor.u32 v2, v0  }
0x1e3: {  	[tilespmem:s0+$0xB0] =	vst v0  }
0x1e4: {  	[hbm4b:s11+s24] =	stream.strided.scatter [tilespmem:s19], [sflag:$0x3], $0x4000, s25, s24, $0x38;
	[tilespmem:$0x1C350] =	vst v63  }
0x1e5: {  	_ =	swait.ge [sflag:s17], $0x2200  }
0x1e6: {  	[sflag:s17] =	ssyncset.done $0x0  }
0x1e7: {  	[sflag:s17] =	ssyncadd.s32 $0xFFFFDE00  }
0x1e8: {  	_ =	swait.ge [sflag:s17], $0x2200  }
0x1e9: {  	[sflag:s17] =	ssyncset.done $0x0  }
0x1ea: {  	s0 =	simm.s32 $0x14450;
	[sflag:s17] =	ssyncadd.s32 $0xFFFFDE00  }
0x1eb: {  	s1 =	simm.s32 $0x18450;
	v0 =	vld [tilespmem:s0+$0xC0]  }
0x1ec: {  	v1 =	vld [tilespmem:s1+$0xC0]  }
0x1ed: {  	v2 =	vld [tilespmem:s1+$0xFFFFFF00]  }
0x1ee: {  	v3 =	vld [tilespmem:s0+$0xFFFFFF40]  }
0x1ef: {  	v4 =	vld [tilespmem:s1+$0xFFFFFF40]  }
0x1f0: {  	v6 =	vld [tilespmem:s1+$0xFFFFFF80]  }
0x1f1: {  	v7 =	vld [tilespmem:s0+$0xFFFFFFC0]  }
0x1f2: {  	v8 =	vld [tilespmem:s1+$0xFFFFFFC0]  }
0x1f3: {  	v9 =	vld [tilespmem:s0+$0x0]  }
0x1f4: {  	v10 =	vld [tilespmem:s1+$0x0]  }
0x1f5: {  	v11 =	vld [tilespmem:s0+$0x40];
	v0 =	vand.u32 $0xFFFF0000, v0;
	v1 =	vand.u32 $0xFFFF, v1  }
0x1f6: {  	v0 =	vor.u32 v0, v1;
	v1 =	vld [tilespmem:s0+$0xFFFFFF80]  }
0x1f7: {  	[tilespmem:s0+$0xC0] =	vst v0;
	v0 =	vld [tilespmem:s0+$0xD0]  }
0x1f8: {  	v5 =	vld [tilespmem:s1+$0xD0]  }
0x1f9: {  	v13 =	vld [tilespmem:s0+$0x80]  }
0x1fa: {  	v58 =	vld [tilespmem:s0+$0xFFFFFFD0];
	v3 =	vand.u32 $0xFFFF0000, v3;
	v4 =	vand.u32 $0xFFFF, v4  }
0x1fb: {  	v59 =	vld [tilespmem:s0+$0x10];
	v3 =	vor.u32 v3, v4;
	v4 =	vand.u32 $0xFFFF, v6  }
0x1fc: {  	v61 =	vld [tilespmem:s0+$0x20];
	[tilespmem:s0+$0xFFFFFF40] =	vst v3;
	v3 =	vand.u32 $0xFFFF0000, v7;
	v1 =	vand.u32 $0xFFFF0000, v1;
	v0 =	vand.u32 $0xFFFF0000, v0  }
0x1fd: {  	v1 =	vor.u32 v1, v4;
	v4 =	vand.u32 $0xFFFF, v8;
	v8 =	vld [tilespmem:s1+$0xFFFFFF50];
	v5 =	vand.u32 $0xFFFF, v5  }
0x1fe: {  	[tilespmem:s0+$0xFFFFFF80] =	vst v1;
	v1 =	vor.u32 v3, v4;
	v4 =	vand.u32 $0xFFFF, v10;
	v10 =	vld [tilespmem:s0+$0xFFFFFF50];
	v0 =	vor.u32 v0, v5  }
0x1ff: {  	[tilespmem:s0+$0xD0] =	vst v0;
	v0 =	vld [tilespmem:s0+$0xE0]  }
0x200: {  	v12 =	vld [tilespmem:s1+$0xE0]  }
0x201: {  	v5 =	vld [tilespmem:s1+$0x40]  }
0x202: {  	v7 =	vld [tilespmem:s0+$0xFFFFFF00]  }
0x203: {  	v15 =	vld [tilespmem:s0+$0xFFFFFF70];
	v3 =	vand.u32 $0xFFFF0000, v9  }
0x204: {  	v6 =	vld [tilespmem:s1+$0x80];
	[tilespmem:s0+$0xFFFFFFC0] =	vst v1;
	v1 =	vor.u32 v3, v4;
	v8 =	vand.u32 $0xFFFF, v8  }
0x205: {  	v3 =	vld [tilespmem:s1+$0xFFFFFF90];
	v10 =	vand.u32 $0xFFFF0000, v10;
	v0 =	vand.u32 $0xFFFF0000, v0;
	v4 =	vand.u32 $0xFFFF, v12  }
0x206: {  	[tilespmem:s0+$0x0] =	vst v1;
	v1 =	vld [tilespmem:s1+$0xFFFFFFD0];
	v5 =	vand.u32 $0xFFFF, v5;
	v0 =	vor.u32 v0, v4;
	v4 =	vand.u32 $0xFFFF0000, v11  }
0x207: {  	v9 =	vld [tilespmem:s1+$0x10];
	[tilespmem:s0+$0xE0] =	vst v0;
	v0 =	vand.u32 $0xFFFF, v2;
	v2 =	vor.u32 v4, v5;
	v4 =	vand.u32 $0xFFFF0000, v7  }
0x208: {  	v8 =	vor.u32 v10, v8;
	v10 =	vld [tilespmem:s0+$0xFFFFFF20];
	v0 =	vor.u32 v4, v0  }
0x209: {  	v6 =	vand.u32 $0xFFFF, v6;
	v11 =	vld [tilespmem:s0+$0xFFFFFF90];
	v4 =	vand.u32 $0xFFFF0000, v13;
	[tilespmem:s0+$0xFFFFFF00] =	vst v0  }
0x20a: {  	[tilespmem:s0+$0xFFFFFF50] =	vst v8;
	v4 =	vor.u32 v4, v6;
	v6 =	vld [tilespmem:s1+$0xFFFFFF10]  }
0x20b: {  	[tilespmem:s0+$0x80] =	vst v4;
	v4 =	vld [tilespmem:s0+$0xFFFFFF10]  }
0x20c: {  	v60 =	vld [tilespmem:s1+$0xFFFFFF60]  }
0x20d: {  	v5 =	vld [tilespmem:s0+$0xF0]  }
0x20e: {  	[tilespmem:s0+$0x40] =	vst v2;
	v2 =	vld [tilespmem:s1+$0xF0]  }
0x20f: {  	v3 =	vand.u32 $0xFFFF, v3;
	v0 =	vld [tilespmem:s1+$0x50];
	v11 =	vand.u32 $0xFFFF0000, v11  }
0x210: {  	v7 =	vld [tilespmem:s1+$0x90];
	v3 =	vor.u32 v11, v3;
	v6 =	vand.u32 $0xFFFF, v6;
	v4 =	vand.u32 $0xFFFF0000, v4  }
0x211: {  	v1 =	vand.u32 $0xFFFF, v1;
	v11 =	vand.u32 $0xFFFF0000, v58;
	[tilespmem:s0+$0xFFFFFF90] =	vst v3;
	v4 =	vor.u32 v4, v6;
	v6 =	vld [tilespmem:s0+$0x50]  }
0x212: {  	v1 =	vor.u32 v11, v1;
	v11 =	vld [tilespmem:s1+$0xFFFFFFA0]  }
0x213: {  	v9 =	vand.u32 $0xFFFF, v9;
	v3 =	vand.u32 $0xFFFF0000, v59;
	[tilespmem:s0+$0xFFFFFF10] =	vst v4;
	v4 =	vld [tilespmem:s0+$0x90]  }
0x214: {  	[tilespmem:s0+$0xFFFFFFD0] =	vst v1;
	v1 =	vor.u32 v3, v9;
	v9 =	vld [tilespmem:s0+$0xFFFFFFE0]  }
0x215: {  	v8 =	vld [tilespmem:s1+$0xFFFFFF20]  }
0x216: {  	v0 =	vand.u32 $0xFFFF, v0;
	[tilespmem:s0+$0x10] =	vst v1;
	v3 =	vand.u32 $0xFFFF0000, v6;
	v6 =	vand.u32 $0xFFFF, v7;
	v7 =	vld [tilespmem:s1+$0xFFFFFFE0]  }
0x217: {  	v0 =	vor.u32 v3, v0;
	v3 =	vld [tilespmem:s1+$0x20]  }
0x218: {  	v1 =	vand.u32 $0xFFFF0000, v4;
	v4 =	vld [tilespmem:s0+$0xFFFFFF60]  }
0x219: {  	[tilespmem:s0+$0x50] =	vst v0;
	v0 =	vor.u32 v1, v6;
	v6 =	vld [tilespmem:s0+$0xFFFFFFA0]  }
0x21a: {  	v10 =	vand.u32 $0xFFFF0000, v10;
	v8 =	vand.u32 $0xFFFF, v8;
	v1 =	vld [tilespmem:s1+$0x60]  }
0x21b: {  	[tilespmem:s0+$0x90] =	vst v0;
	v8 =	vor.u32 v10, v8;
	v10 =	vld [tilespmem:s0+$0x60]  }
0x21c: {  	v0 =	vld [tilespmem:s1+$0xA0]  }
0x21d: {  	v12 =	vand.u32 $0xFFFF, v60;
	[tilespmem:s0+$0xFFFFFF20] =	vst v8;
	v8 =	vld [tilespmem:s0+$0xA0];
	v4 =	vand.u32 $0xFFFF0000, v4  }
0x21e: {  	v11 =	vand.u32 $0xFFFF, v11;
	v62 =	vld [tilespmem:s1+$0xFFFFFF30];
	v4 =	vor.u32 v4, v12;
	v6 =	vand.u32 $0xFFFF0000, v6  }
0x21f: {  	v9 =	vand.u32 $0xFFFF0000, v9;
	[tilespmem:s0+$0xFFFFFF60] =	vst v4;
	v4 =	vand.u32 $0xFFFF, v7;
	v6 =	vor.u32 v6, v11;
	v7 =	vld [tilespmem:s0+$0xFFFFFF30]  }
0x220: {  	v3 =	vand.u32 $0xFFFF, v3;
	[tilespmem:s0+$0xFFFFFFA0] =	vst v6;
	v11 =	vld [tilespmem:s1+$0xFFFFFF70];
	v4 =	vor.u32 v9, v4;
	v6 =	vand.u32 $0xFFFF0000, v61  }
0x221: {  	v1 =	vand.u32 $0xFFFF, v1;
	v9 =	vld [tilespmem:s1+$0xFFFFFFB0];
	[tilespmem:s0+$0xFFFFFFE0] =	vst v4;
	v3 =	vor.u32 v6, v3;
	v4 =	vand.u32 $0xFFFF0000, v10  }
0x222: {  	v0 =	vand.u32 $0xFFFF, v0;
	v63 =	vld [tilespmem:s1+$0xFFFFFFF0];
	[tilespmem:s0+$0x20] =	vst v3;
	v1 =	vor.u32 v4, v1;
	v3 =	vand.u32 $0xFFFF0000, v8  }
0x223: {  	v14 =	vld [tilespmem:s1+$0x30];
	[tilespmem:s0+$0x60] =	vst v1;
	v0 =	vor.u32 v3, v0  }
0x224: {  	v1 =	vld [tilespmem:s1+$0x70];
	[tilespmem:s0+$0xA0] =	vst v0  }
0x225: {  	v0 =	vld [tilespmem:s1+$0xB0]  }
0x226: {  	v2 =	vand.u32 $0xFFFF, v2;
	v8 =	vld [tilespmem:s0+$0xFFFFFFB0]  }
0x227: {  	v6 =	vld [tilespmem:s0+$0xFFFFFFF0];
	v4 =	vand.u32 $0xFFFF, v62;
	v3 =	vand.u32 $0xFFFF0000, v5;
	v5 =	vand.u32 $0xFFFF0000, v7  }
0x228: {  	v2 =	vor.u32 v3, v2;
	v7 =	vor.u32 v5, v4;
	v10 =	vand.u32 $0xFFFF, v11;
	v4 =	vld [tilespmem:s0+$0x30]  }
0x229: {  	[tilespmem:s0+$0xF0] =	vst v2;
	v5 =	vld [tilespmem:s0+$0x70];
	v11 =	vand.u32 $0xFFFF0000, v15;
	v9 =	vand.u32 $0xFFFF, v9;
	v3 =	vand.u32 $0xFFFF, v63  }
0x22a: {  	s3 =	simm.s32 $0x0;
	s7 =	simm.s32 $0x14650;
	[tilespmem:s0+$0xFFFFFF30] =	vst v7;
	v7 =	vld [tilespmem:s0+$0xB0];
	v2 =	vand.u32 $0xFFFF, v14;
	v1 =	vand.u32 $0xFFFF, v1;
	v0 =	vand.u32 $0xFFFF, v0  }
.LBB2_10:
0x22b: {  	v12 =	vld [tilespmem:s7+$0xC0];
	v10 =	vor.u32 v11, v10;
	v8 =	vand.u32 $0xFFFF0000, v8;
	s1 =	sadd.s32 $0x200, s1  }
0x22c: {  	s3 =	sadd.s32 $0x8, s3;
	v11 =	vld [tilespmem:s1+$0xC0];
	[tilespmem:s0+$0xFFFFFF70] =	vst v10;
	v8 =	vor.u32 v8, v9;
	v6 =	vand.u32 $0xFFFF0000, v6  }
0x22d: {  	p0 =	slt.u32 s3, $0x80;
	v9 =	vld [tilespmem:s1+$0xFFFFFF00];
	[tilespmem:s0+$0xFFFFFFB0] =	vst v8;
	v3 =	vor.u32 v6, v3;
	v4 =	vand.u32 $0xFFFF0000, v4  }
0x22e: {  	v6 =	vld [tilespmem:s7+$0xFFFFFF40];
	[tilespmem:s0+$0xFFFFFFF0] =	vst v3;
	v2 =	vor.u32 v4, v2;
	v3 =	vand.u32 $0xFFFF0000, v5  }
0x22f: {  	v4 =	vld [tilespmem:s1+$0xFFFFFF40];
	[tilespmem:s0+$0x30] =	vst v2;
	v1 =	vor.u32 v3, v1;
	v2 =	vand.u32 $0xFFFF0000, v7  }
0x230: {  	v3 =	vld [tilespmem:s7+$0xFFFFFF80];
	[tilespmem:s0+$0x70] =	vst v1;
	v0 =	vor.u32 v2, v0  }
0x231: {  	v2 =	vand.u32 $0xFFFF0000, v12;
	v1 =	vld [tilespmem:s1+$0xFFFFFF80];
	v5 =	vand.u32 $0xFFFF, v11;
	[tilespmem:s0+$0xB0] =	vst v0;
	s0 =	smov.u32 s7  }
0x232: {  	v0 =	vand.u32 $0xFFFF, v9;
	v7 =	vld [tilespmem:s7+$0xFFFFFFC0];
	v2 =	vor.u32 v2, v5  }
0x233: {  	v5 =	vand.u32 $0xFFFF0000, v6;
	[tilespmem:s7+$0xC0] =	vst v2;
	v2 =	vld [tilespmem:s7+$0xD0]  }
0x234: {  	v4 =	vand.u32 $0xFFFF, v4;
	v6 =	vld [tilespmem:s1+$0xD0]  }
0x235: {  	v4 =	vor.u32 v5, v4;
	v3 =	vand.u32 $0xFFFF0000, v3;
	v5 =	vld [tilespmem:s1+$0xFFFFFFC0]  }
0x236: {  	[tilespmem:s7+$0xFFFFFF40] =	vst v4;
	v1 =	vand.u32 $0xFFFF, v1;
	v4 =	vld [tilespmem:s7+$0x0]  }
0x237: {  	v1 =	vor.u32 v3, v1;
	v3 =	vand.u32 $0xFFFF0000, v7;
	v7 =	vld [tilespmem:s1+$0x0]  }
0x238: {  	[tilespmem:s7+$0xFFFFFF80] =	vst v1;
	v1 =	vld [tilespmem:s7+$0x40]  }
0x239: {  	v2 =	vand.u32 $0xFFFF0000, v2;
	v8 =	vld [tilespmem:s1+$0x40];
	v6 =	vand.u32 $0xFFFF, v6  }
0x23a: {  	v5 =	vand.u32 $0xFFFF, v5;
	v9 =	vld [tilespmem:s7+$0x80];
	v2 =	vor.u32 v2, v6  }
0x23b: {  	v3 =	vor.u32 v3, v5;
	v4 =	vand.u32 $0xFFFF0000, v4;
	[tilespmem:s7+$0xD0] =	vst v2;
	v2 =	vld [tilespmem:s7+$0xE0]  }
0x23c: {  	[tilespmem:s7+$0xFFFFFFC0] =	vst v3;
	v3 =	vand.u32 $0xFFFF, v7;
	v5 =	vld [tilespmem:s1+$0xE0]  }
0x23d: {  	v3 =	vor.u32 v4, v3;
	v1 =	vand.u32 $0xFFFF0000, v1;
	v4 =	vld [tilespmem:s1+$0x80]  }
0x23e: {  	v6 =	vld [tilespmem:s7+$0xFFFFFF00];
	[tilespmem:s7+$0x0] =	vst v3;
	v3 =	vand.u32 $0xFFFF, v8  }
0x23f: {  	v7 =	vld [tilespmem:s1+$0xFFFFFF50];
	v1 =	vor.u32 v1, v3;
	v3 =	vand.u32 $0xFFFF0000, v9  }
0x240: {  	v8 =	vld [tilespmem:s1+$0xFFFFFF90];
	[tilespmem:s7+$0x40] =	vst v1  }
0x241: {  	v2 =	vand.u32 $0xFFFF0000, v2;
	v1 =	vld [tilespmem:s1+$0xFFFFFFD0];
	v5 =	vand.u32 $0xFFFF, v5  }
0x242: {  	v9 =	vld [tilespmem:s1+$0x10];
	v4 =	vand.u32 $0xFFFF, v4;
	v2 =	vor.u32 v2, v5  }
0x243: {  	v5 =	vand.u32 $0xFFFF0000, v6;
	v3 =	vor.u32 v3, v4;
	[tilespmem:s7+$0xE0] =	vst v2;
	v2 =	vld [tilespmem:s7+$0xF0]  }
0x244: {  	v0 =	vor.u32 v5, v0;
	v4 =	vand.u32 $0xFFFF, v7;
	[tilespmem:s7+$0x80] =	vst v3;
	v3 =	vld [tilespmem:s1+$0xF0]  }
0x245: {  	[tilespmem:s7+$0xFFFFFF00] =	vst v0;
	v0 =	vand.u32 $0xFFFF, v8;
	v5 =	vld [tilespmem:s1+$0x50]  }
0x246: {  	v6 =	vld [tilespmem:s1+$0xFFFFFF10];
	v1 =	vand.u32 $0xFFFF, v1  }
0x247: {  	v7 =	vand.u32 $0xFFFF, v9;
	v8 =	vld [tilespmem:s1+$0x90]  }
0x248: {  	v9 =	vld [tilespmem:s7+$0xFFFFFF10]  }
0x249: {  	v2 =	vand.u32 $0xFFFF0000, v2;
	v10 =	vld [tilespmem:s7+$0xFFFFFF50];
	v3 =	vand.u32 $0xFFFF, v3  }
0x24a: {  	v11 =	vld [tilespmem:s7+$0xFFFFFF90];
	v5 =	vand.u32 $0xFFFF, v5;
	v2 =	vor.u32 v2, v3  }
0x24b: {  	v3 =	vand.u32 $0xFFFF, v6;
	v6 =	vld [tilespmem:s7+$0xFFFFFFD0];
	[tilespmem:s7+$0xF0] =	vst v2  }
0x24c: {  	v2 =	vld [tilespmem:s7+$0x10];
	v8 =	vand.u32 $0xFFFF, v8  }
0x24d: {  	v9 =	vand.u32 $0xFFFF0000, v9;
	v12 =	vld [tilespmem:s7+$0x50]  }
0x24e: {  	v3 =	vor.u32 v9, v3;
	v9 =	vand.u32 $0xFFFF0000, v10;
	v10 =	vld [tilespmem:s7+$0x90]  }
0x24f: {  	[tilespmem:s7+$0xFFFFFF10] =	vst v3;
	v3 =	vld [tilespmem:s7+$0xFFFFFF20];
	v4 =	vor.u32 v9, v4;
	v9 =	vand.u32 $0xFFFF0000, v11  }
0x250: {  	v11 =	vld [tilespmem:s1+$0xFFFFFF20];
	[tilespmem:s7+$0xFFFFFF50] =	vst v4;
	v0 =	vor.u32 v9, v0;
	v4 =	vand.u32 $0xFFFF0000, v6  }
0x251: {  	v6 =	vld [tilespmem:s1+$0xFFFFFF60];
	[tilespmem:s7+$0xFFFFFF90] =	vst v0;
	v0 =	vor.u32 v4, v1;
	v1 =	vand.u32 $0xFFFF0000, v2  }
0x252: {  	v2 =	vld [tilespmem:s1+$0xFFFFFFA0];
	[tilespmem:s7+$0xFFFFFFD0] =	vst v0;
	v0 =	vor.u32 v1, v7;
	v1 =	vand.u32 $0xFFFF0000, v12  }
0x253: {  	v4 =	vld [tilespmem:s1+$0xFFFFFFE0];
	[tilespmem:s7+$0x10] =	vst v0;
	v0 =	vor.u32 v1, v5;
	v1 =	vand.u32 $0xFFFF0000, v10  }
0x254: {  	v3 =	vand.u32 $0xFFFF0000, v3;
	v5 =	vld [tilespmem:s1+$0x20];
	[tilespmem:s7+$0x50] =	vst v0;
	v0 =	vor.u32 v1, v8  }
0x255: {  	v1 =	vand.u32 $0xFFFF, v11;
	v7 =	vld [tilespmem:s1+$0x60];
	[tilespmem:s7+$0x90] =	vst v0  }
0x256: {  	v0 =	vor.u32 v3, v1;
	v1 =	vand.u32 $0xFFFF, v6;
	v3 =	vld [tilespmem:s1+$0xA0]  }
0x257: {  	[tilespmem:s7+$0xFFFFFF20] =	vst v0;
	v0 =	vld [tilespmem:s7+$0xFFFFFF60];
	v2 =	vand.u32 $0xFFFF, v2  }
0x258: {  	v6 =	vld [tilespmem:s7+$0xFFFFFFA0];
	v4 =	vand.u32 $0xFFFF, v4  }
0x259: {  	v8 =	vld [tilespmem:s7+$0xFFFFFFE0];
	v5 =	vand.u32 $0xFFFF, v5  }
0x25a: {  	v9 =	vld [tilespmem:s7+$0x20];
	v7 =	vand.u32 $0xFFFF, v7  }
0x25b: {  	v10 =	vld [tilespmem:s7+$0x60];
	v3 =	vand.u32 $0xFFFF, v3  }
0x25c: {  	v0 =	vand.u32 $0xFFFF0000, v0;
	v11 =	vld [tilespmem:s7+$0xA0]  }
0x25d: {  	v12 =	vld [tilespmem:s1+$0xFFFFFF30];
	v0 =	vor.u32 v0, v1;
	v1 =	vand.u32 $0xFFFF0000, v6  }
0x25e: {  	v6 =	vld [tilespmem:s7+$0xFFFFFF30];
	[tilespmem:s7+$0xFFFFFF60] =	vst v0;
	v0 =	vor.u32 v1, v2;
	v1 =	vand.u32 $0xFFFF0000, v8  }
0x25f: {  	v2 =	vld [tilespmem:s1+$0xFFFFFF70];
	[tilespmem:s7+$0xFFFFFFA0] =	vst v0;
	v0 =	vor.u32 v1, v4;
	v1 =	vand.u32 $0xFFFF0000, v9  }
0x260: {  	v4 =	vld [tilespmem:s1+$0xFFFFFFB0];
	[tilespmem:s7+$0xFFFFFFE0] =	vst v0;
	v0 =	vor.u32 v1, v5;
	v1 =	vand.u32 $0xFFFF0000, v10  }
0x261: {  	v5 =	vld [tilespmem:s1+$0xFFFFFFF0];
	[tilespmem:s7+$0x20] =	vst v0;
	v0 =	vor.u32 v1, v7;
	v1 =	vand.u32 $0xFFFF0000, v11  }
0x262: {  	v7 =	vand.u32 $0xFFFF, v12;
	v11 =	vld [tilespmem:s1+$0x30];
	[tilespmem:s7+$0x60] =	vst v0;
	v0 =	vor.u32 v1, v3  }
0x263: {  	v1 =	vand.u32 $0xFFFF0000, v6;
	v12 =	vld [tilespmem:s1+$0x70];
	[tilespmem:s7+$0xA0] =	vst v0  }
0x264: {  	v0 =	vor.u32 v1, v7;
	v10 =	vand.u32 $0xFFFF, v2;
	v7 =	vld [tilespmem:s1+$0xB0]  }
0x265: {  	[tilespmem:s7+$0xFFFFFF30] =	vst v0;
	v13 =	vld [tilespmem:s7+$0xFFFFFF70];
	v9 =	vand.u32 $0xFFFF, v4  }
.Ltmp4:
0x266: {  	v8 =	vld [tilespmem:s7+$0xFFFFFFB0];
	v3 =	vand.u32 $0xFFFF, v5;
	(pc) =	sbr.rel @p0 .LBB2_10-.Ltmp4, $4  }
0x267: {  	v6 =	vld [tilespmem:s7+$0xFFFFFFF0];
	v2 =	vand.u32 $0xFFFF, v11  }
0x268: {  	v4 =	vld [tilespmem:s7+$0x30];
	v1 =	vand.u32 $0xFFFF, v12  }
0x269: {  	v5 =	vld [tilespmem:s7+$0x70];
	v0 =	vand.u32 $0xFFFF, v7  }
0x26a: {  	s7 =	sadd.s32 $0x200, s7;
	v11 =	vand.u32 $0xFFFF0000, v13;
	v7 =	vld [tilespmem:s0+$0xB0]  }
0x26b: {  	v10 =	vor.u32 v11, v10;
	v8 =	vand.u32 $0xFFFF0000, v8  }
0x26c: {  	[tilespmem:s0+$0xFFFFFF70] =	vst v10;
	v8 =	vor.u32 v8, v9;
	v6 =	vand.u32 $0xFFFF0000, v6  }
0x26d: {  	[tilespmem:s0+$0xFFFFFFB0] =	vst v8;
	v3 =	vor.u32 v6, v3;
	v4 =	vand.u32 $0xFFFF0000, v4  }
0x26e: {  	[tilespmem:s0+$0xFFFFFFF0] =	vst v3;
	v2 =	vor.u32 v4, v2;
	v62 =	vand.u32 $0xFFFF0000, v5  }
0x26f: {  	[tilespmem:s0+$0x30] =	vst v2;
	v1 =	vor.u32 v62, v1;
	v63 =	vand.u32 $0xFFFF0000, v7  }
0x270: {  	[tilespmem:s0+$0x70] =	vst v1;
	v0 =	vor.u32 v63, v0  }
0x271: {  	s30 =	sadd.s32 $0x1, s30;
	[tilespmem:s0+$0xB0] =	vst v0  }
0x272: {  	[hbm4b:s12+s24] =	stream.strided.scatter [tilespmem:s21], [sflag:$0x6], $0x2200, s25, s24, $0x38;
	[tilespmem:$0x1C350] =	vst v63  }
0x273: {  	p0 =	sne.s32 s30, s13;
	_ =	swait.ge [sflag:s15], $0x2200  }
.Ltmp5:
0x274: {  	[sflag:s15] =	ssyncset.done $0x0;
	(pc) =	sbr.rel @p0 .LBB2_1-.Ltmp5, $4  }
0x275: {  	[sflag:s15] =	ssyncadd.s32 $0xFFFFDE00  }
0x276: {  	_ =	swait.ge [sflag:s28], $0x4000  }
0x277: {  	[sflag:s28] =	ssyncset.done $0x0  }
0x278: {  	[sflag:s28] =	ssyncadd.s32 $0xFFFFC000  }
0x279: {  	_ =	sfence.sel $0x180000  }
0x27a: {  	[bflag:$0x0] =	sbarrier.arrive $0xFFFF  }
0x27b: {  	_ =	strace $0x90000047  }
0x27c: {  	s0 =	stileid.u32;
	[bflag:$0x2] =	sbarrier.arrive $0xFFFF  }
0x27d: {  	p0 =	sne.s32 s0, $0x0;
	s0 =	rddreg [dreg:$0x3]  }
0x27e: {  	s0 =	sadd.s32 @!p0 $0x100000, s0  }
0x27f: {  	[sflag:s0] =	ssyncadd.tile.s32 @!p0 $0x1;
	_ =	shalt  }
.Lfunc_end2:
_tile_overlayer_lowered:
.L_overlay_start_2:
0x280: {  	(tag) =	ssettag $0x2  }
0x281: {  	s0 =	rddreg [dreg:$0x0];
	s2 =	stileid.u32  }
0x282: {  	s1 =	rddreg [dreg:$0x1];
	p0 =	sne.s32 s2, $0x0  }
0x283: {  	s3 =	rddreg [dreg:$0x2];
	[bflag:$0x3] =	sbarrier.arrive $0xFFFF;
	s2 =	simm.s32 @!p0 $0x1C06  }
0x284: {  	[timem:s3], [sflag:s2] =	dma.local @!p0 [hbm:s0], s1  }
0x285: {  	s0 =	simm.s32 @!p0 $0x6  }
0x286: {  	_ =	swait.ge @!p0 [sflag:s0], s1  }
0x287: {  	s1 =	ssub.s32 @!p0 $0x0, s1;
	[sflag:s0] =	ssyncset.done @!p0 $0x0  }
0x288: {  	[sflag:s0] =	ssyncadd.s32 @!p0 s1  }
0x289: {  	[bflag:$0x3] =	sbarrier.arrive $0xFFFF  }
0x28a: {  	_ =	shalt  }

</sc_bundles>
